<compile_context>
chip_gen: v7x
topology: tpu7x:2x2x1
jax: 0.10.2.dev20260603
libtpu: 0.0.44.dev20260713+nightly
codegen_flags: <defaults>
</compile_context>

<pallas_src>
import functools
import jax
import jax.numpy as jnp
from jax import lax
from jax.experimental import pallas as pl
from jax.experimental.pallas import tpu as pltpu
from jax.experimental.pallas import tpu_sc as plsc

_N = 2048
_B = 8
_S = 512
_EPS = 1e-5
_RADII = (0.2, 0.4, 0.8)
_KS = (16, 32, 64)
_D = 128



def _fps_body(xyz_ref, nx_ref, ny_ref, nz_ref):
    x = xyz_ref[0]
    y = xyz_ref[1]
    z = xyz_ref[2]
    iota = lax.broadcasted_iota(jnp.int32, (_B, _N), 1)
    col512 = lax.broadcasted_iota(jnp.int32, (_B, _S), 1)

    def body(i, state):
        distances, far, ax, ay, az = state
        oh = (iota == far)
        cx = jnp.sum(jnp.where(oh, x, 0.0), axis=1, keepdims=True)
        cy = jnp.sum(jnp.where(oh, y, 0.0), axis=1, keepdims=True)
        cz = jnp.sum(jnp.where(oh, z, 0.0), axis=1, keepdims=True)
        ax = jnp.where(col512 == i, cx, ax)
        ay = jnp.where(col512 == i, cy, ay)
        az = jnp.where(col512 == i, cz, az)
        dx = x - cx
        dy = y - cy
        dz = z - cz
        dist = dx * dx + dy * dy + dz * dz
        distances = jnp.minimum(distances, dist)
        maxv = jnp.max(distances, axis=1, keepdims=True)
        far = jnp.min(jnp.where(distances == maxv, iota, _N), axis=1,
                      keepdims=True)
        return distances, far, ax, ay, az

    init = (jnp.full((_B, _N), jnp.inf, dtype=jnp.float32),
            jnp.zeros((_B, 1), dtype=jnp.int32),
            jnp.zeros((_B, _S), dtype=jnp.float32),
            jnp.zeros((_B, _S), dtype=jnp.float32),
            jnp.zeros((_B, _S), dtype=jnp.float32))
    _, _, ax, ay, az = lax.fori_loop(0, _S, body, init)
    nx_ref[...] = ax
    ny_ref[...] = ay
    nz_ref[...] = az


def _run_fps(xyz_t):
    out = jax.ShapeDtypeStruct((_B, _S), jnp.float32)
    return pl.pallas_call(
        _fps_body,
        out_shape=(out, out, out),
    )(xyz_t)



_TS = 512


def _bq_body(xyz_ref, cxyz_ref, idx_ref):
    b = pl.program_id(0)
    x = xyz_ref[0, 0:1, :]
    y = xyz_ref[0, 1:2, :]
    z = xyz_ref[0, 2:3, :]
    cx = cxyz_ref[0, :, 0:1]
    cy = cxyz_ref[0, :, 1:2]
    cz = cxyz_ref[0, :, 2:3]
    dot = cx * x + cy * y + cz * z
    ssrc = cx * cx + cy * cy + cz * cz
    sdst = x * x + y * y + z * z
    sq = jnp.maximum(-2.0 * dot + ssrc + sdst, 0.0)
    iota = lax.broadcasted_iota(jnp.int32, (_TS, _N), 1)
    off = b * _N
    cols = []
    for r, k in zip(_RADII, _KS):
        mask = sq <= r * r
        first = jnp.min(jnp.where(mask, iota, _N), axis=1, keepdims=True)
        c = mask.astype(jnp.int32)
        d = 1
        while d < _N:
            c = c + jnp.concatenate(
                [jnp.zeros((_TS, d), jnp.int32), c[:, :_N - d]], axis=1)
            d *= 2
        kcol = lax.broadcasted_iota(jnp.int32, (_TS, k), 1)

        def body(k_i, out, kcol=kcol):
            cntk = jnp.sum((c <= k_i).astype(jnp.int32), axis=1,
                           keepdims=True)
            return jnp.where(kcol == k_i, cntk, out)

        got = lax.fori_loop(0, k, body, jnp.zeros((_TS, k), jnp.int32))
        got = jnp.where(got == _N, first, got)
        cols.append(got + off)
    idx_ref[0] = jnp.concatenate(cols, axis=1)


def _run_ball_query(xyz_t, cxyz):
    ktot = sum(_KS)
    return pl.pallas_call(
        _bq_body,
        grid=(_B, _S // _TS),
        in_specs=[
            pl.BlockSpec((1, 3, _N), lambda b, t: (b, 0, 0)),
            pl.BlockSpec((1, _TS, 3), lambda b, t: (b, t, 0)),
        ],
        out_specs=pl.BlockSpec((1, _TS, ktot), lambda b, t: (b, t, 0)),
        out_shape=jax.ShapeDtypeStruct((_B, _S, ktot), jnp.int32),
    )(xyz_t, cxyz)



_CHUNK = 256


def _sc_gather(table, idx_flat):
    rows = idx_flat.shape[0]
    info = plsc.get_sparse_core_info()
    nw = info.num_cores * info.num_subcores
    per_w = rows // nw
    n2 = per_w // _CHUNK // 2
    mesh = plsc.VectorSubcoreMesh(core_axis_name="c", subcore_axis_name="s")

    @functools.partial(
        pl.kernel, mesh=mesh,
        out_type=jax.ShapeDtypeStruct((rows, _D), jnp.float32),
        scratch_types=[
            pltpu.VMEM((_CHUNK,), jnp.int32),
            pltpu.VMEM((_CHUNK,), jnp.int32),
            pltpu.VMEM((_CHUNK, _D), jnp.float32),
            pltpu.VMEM((_CHUNK, _D), jnp.float32),
            pltpu.SemaphoreType.DMA,
            pltpu.SemaphoreType.DMA,
            pltpu.SemaphoreType.DMA,
            pltpu.SemaphoreType.DMA,
        ],
    )
    def k(table_hbm, idx_hbm, out_hbm, idx0, idx1, rows0, rows1,
          sg0, sg1, sw0, sw1):
        wid = lax.axis_index("s") * info.num_cores + lax.axis_index("c")
        base = wid * per_w

        def off(it):
            return base + it * _CHUNK

        pltpu.sync_copy(idx_hbm.at[pl.ds(off(0), _CHUNK)], idx0)
        pltpu.async_copy(table_hbm.at[idx0], rows0, sg0)

        def body(g, _):
            @pl.when(g > 0)
            def _():
                pltpu.make_async_copy(rows1, out_hbm.at[pl.ds(0, _CHUNK)],
                                      sw1).wait()
            pltpu.sync_copy(idx_hbm.at[pl.ds(off(2 * g + 1), _CHUNK)], idx1)
            pltpu.async_copy(table_hbm.at[idx1], rows1, sg1)
            pltpu.make_async_copy(table_hbm.at[idx0], rows0, sg0).wait()
            pltpu.async_copy(rows0, out_hbm.at[pl.ds(off(2 * g), _CHUNK)], sw0)
            pltpu.make_async_copy(rows0, out_hbm.at[pl.ds(0, _CHUNK)],
                                  sw0).wait()

            @pl.when(g + 1 < n2)
            def _():
                pltpu.sync_copy(idx_hbm.at[pl.ds(off(2 * g + 2), _CHUNK)],
                                idx0)
                pltpu.async_copy(table_hbm.at[idx0], rows0, sg0)

            pltpu.make_async_copy(table_hbm.at[idx1], rows1, sg1).wait()
            pltpu.async_copy(rows1, out_hbm.at[pl.ds(off(2 * g + 1), _CHUNK)],
                             sw1)
            return 0

        lax.fori_loop(0, n2, body, 0)
        pltpu.make_async_copy(rows1, out_hbm.at[pl.ds(0, _CHUNK)], sw1).wait()

    return k(table, idx_flat)



_RT = 4096


def _l1_body(x_ref, c_ref, w_ref, wx_ref, y_ref, s_ref, ss_ref, *, kk):
    r = pl.program_id(0)
    y = jnp.dot(x_ref[...], w_ref[...], preferred_element_type=jnp.float32)
    corr = jnp.dot(c_ref[0], wx_ref[...], preferred_element_type=jnp.float32)
    ts = _RT // kk
    o = y.shape[1]
    corr_rows = jnp.broadcast_to(corr[:, None, :], (ts, kk, o)).reshape(_RT, o)
    y = y - corr_rows
    y_ref[...] = y

    @pl.when(r == 0)
    def _():
        s_ref[...] = jnp.zeros_like(s_ref)
        ss_ref[...] = jnp.zeros_like(ss_ref)

    s_ref[...] += jnp.sum(y, axis=0, keepdims=True)
    ss_ref[...] += jnp.sum(y * y, axis=0, keepdims=True)


def _mid_body(x_ref, s_ref, ss_ref, g_ref, b_ref, w_ref,
              y_ref, s2_ref, ss2_ref, *, cnt):
    r = pl.program_id(0)
    mean = s_ref[...] / cnt
    var = ss_ref[...] / cnt - mean * mean
    xh = (x_ref[...] - mean) / jnp.sqrt(var + _EPS) * g_ref[...] + b_ref[...]
    xh = jnp.maximum(xh, 0.0)
    y = jnp.dot(xh, w_ref[...], preferred_element_type=jnp.float32)
    y_ref[...] = y

    @pl.when(r == 0)
    def _():
        s2_ref[...] = jnp.zeros_like(s2_ref)
        ss2_ref[...] = jnp.zeros_like(ss2_ref)

    s2_ref[...] += jnp.sum(y, axis=0, keepdims=True)
    ss2_ref[...] += jnp.sum(y * y, axis=0, keepdims=True)


def _pool_body(x_ref, s_ref, ss_ref, g_ref, b_ref, out_ref, *, cnt, kk):
    mean = s_ref[...] / cnt
    var = ss_ref[...] / cnt - mean * mean
    xh = (x_ref[...] - mean) / jnp.sqrt(var + _EPS) * g_ref[...] + b_ref[...]
    xh = jnp.maximum(xh, 0.0)
    ts = _RT // kk
    o = xh.shape[1]
    out_ref[...] = jnp.max(xh.reshape(ts, kk, o), axis=1)


def _stat_spec(o):
    return pl.BlockSpec((1, o), lambda r: (0, 0))


def _run_mlp_scale(grows, cxyz, layers, kk):
    rows = grows.shape[0]
    grid = rows // _RT
    ts = _RT // kk
    lpb = rows // _B // _RT

    (w1, g1, b1), (w2, g2, b2), (w3, g3, b3) = layers
    o1, o2, o3 = w1.shape[0], w2.shape[0], w3.shape[0]
    w1p = jnp.zeros((_D, o1), jnp.float32)
    w1p = w1p.at[0:64, :].set(w1[:, 3:67].T)
    w1p = w1p.at[64:67, :].set(w1[:, 0:3].T)
    wx = w1[:, 0:3].T

    def cspec():
        return pl.BlockSpec(
            (1, ts, 3), lambda r: (r // lpb, r % lpb, 0))

    y1, s1, ss1 = pl.pallas_call(
        functools.partial(_l1_body, kk=kk),
        grid=(grid,),
        in_specs=[
            pl.BlockSpec((_RT, _D), lambda r: (r, 0)),
            cspec(),
            pl.BlockSpec((_D, o1), lambda r: (0, 0)),
            pl.BlockSpec((3, o1), lambda r: (0, 0)),
        ],
        out_specs=(
            pl.BlockSpec((_RT, o1), lambda r: (r, 0)),
            _stat_spec(o1), _stat_spec(o1),
        ),
        out_shape=(
            jax.ShapeDtypeStruct((rows, o1), jnp.float32),
            jax.ShapeDtypeStruct((1, o1), jnp.float32),
            jax.ShapeDtypeStruct((1, o1), jnp.float32),
        ),
    )(grows, cxyz, w1p, wx)

    def mid(x, s, ss, g, b, w, oi, oo):
        return pl.pallas_call(
            functools.partial(_mid_body, cnt=float(rows)),
            grid=(grid,),
            in_specs=[
                pl.BlockSpec((_RT, oi), lambda r: (r, 0)),
                _stat_spec(oi), _stat_spec(oi),
                _stat_spec(oi), _stat_spec(oi),
                pl.BlockSpec((oi, oo), lambda r: (0, 0)),
            ],
            out_specs=(
                pl.BlockSpec((_RT, oo), lambda r: (r, 0)),
                _stat_spec(oo), _stat_spec(oo),
            ),
            out_shape=(
                jax.ShapeDtypeStruct((rows, oo), jnp.float32),
                jax.ShapeDtypeStruct((1, oo), jnp.float32),
                jax.ShapeDtypeStruct((1, oo), jnp.float32),
            ),
        )(x, s, ss, g[None, :], b[None, :], w.T)

    y2, s2, ss2 = mid(y1, s1, ss1, g1, b1, w2, o1, o2)
    y3, s3, ss3 = mid(y2, s2, ss2, g2, b2, w3, o2, o3)

    pooled = pl.pallas_call(
        functools.partial(_pool_body, cnt=float(rows), kk=kk),
        grid=(grid,),
        in_specs=[
            pl.BlockSpec((_RT, o3), lambda r: (r, 0)),
            _stat_spec(o3), _stat_spec(o3),
            _stat_spec(o3), _stat_spec(o3),
        ],
        out_specs=pl.BlockSpec((ts, o3), lambda r: (r, 0)),
        out_shape=jax.ShapeDtypeStruct((rows // kk, o3), jnp.float32),
    )(y3, s3, ss3, g3[None, :], b3[None, :])
    return pooled.reshape(_B, _S, o3)



def kernel(xyz, features, params):
    xyz_t = jnp.transpose(xyz, (2, 0, 1))
    nx, ny, nz = _run_fps(xyz_t)
    new_xyz = jnp.stack([nx, ny, nz], axis=-1)

    idx_all = _run_ball_query(jnp.transpose(xyz, (0, 2, 1)), new_xyz)

    table = jnp.concatenate(
        [features, xyz, jnp.zeros((_B, _N, _D - 67), jnp.float32)],
        axis=-1).reshape(_B * _N, _D)
    offs = [0, _KS[0], _KS[0] + _KS[1], sum(_KS)]
    idx_flat = jnp.concatenate(
        [idx_all[:, :, offs[i]:offs[i + 1]].reshape(-1) for i in range(3)])
    grows = _sc_gather(table, idx_flat)

    feats = []
    row_off = 0
    for i, kk in enumerate(_KS):
        n_rows = _B * _S * kk
        feats.append(_run_mlp_scale(
            grows[row_off:row_off + n_rows], new_xyz, params[i], kk))
        row_off += n_rows
    return new_xyz, jnp.concatenate(feats, axis=-1)

# --- scband reference (transcript-rebuilt; emitter-appended) ---
"""Pipeline reference for scband-set-abstraction-msg-8830452761364 (READ-ONLY COPY).

The authoritative reference and input builder live on the scoring server;
editing this copy changes nothing except your own understanding.
"""

import jax, jax.numpy as jnp
import numpy as np

N_POINTS = 512
RADII = [0.2, 0.4, 0.8]
N_SAMPLES = [16, 32, 64]
MLPS = [[32, 32, 64], [64, 64, 128], [64, 96, 128]]
IN_CHANNELS = 64
EPS = 1e-5


def _square_distance(src, dst):
    d = -2.0 * jnp.einsum('bnd,bmd->bnm', src, dst)
    d = d + jnp.sum(src ** 2, axis=-1, keepdims=True)
    d = d + jnp.sum(dst ** 2, axis=-1)[:, None, :]
    return jnp.maximum(d, 0.0)


def _farthest_point_sample(xyz, n_samples):
    B, N, _ = xyz.shape

    def body(i, state):
        centroids, distances, farthest = state
        centroids = centroids.at[:, i].set(farthest)
        centroid_xyz = jnp.take_along_axis(xyz, farthest[:, None, None], axis=1)
        dist = jnp.sum((xyz - centroid_xyz) ** 2, axis=-1)
        distances = jnp.minimum(distances, dist)
        farthest = jnp.argmax(distances, axis=1).astype(jnp.int32)
        return centroids, distances, farthest

    init = (jnp.zeros((B, n_samples), dtype=jnp.int32),
            jnp.full((B, N), jnp.inf, dtype=xyz.dtype),
            jnp.zeros((B,), dtype=jnp.int32))
    centroids, _, _ = jax.lax.fori_loop(0, n_samples, body, init)
    return centroids


def _ball_query(radius, k, xyz, query_xyz):
    B, N, _ = xyz.shape
    S = query_xyz.shape[1]
    sq = _square_distance(query_xyz, xyz)
    idx = jnp.broadcast_to(jnp.arange(N, dtype=jnp.int32)[None, None, :], (B, S, N))
    idx = jnp.where(sq > radius ** 2, N, idx)
    idx = jnp.sort(idx, axis=-1)[:, :, :k]
    gf = jnp.broadcast_to(idx[:, :, :1], idx.shape)
    idx = jnp.where(idx == N, gf, idx)
    return idx


def _shared_mlp(x, layer_params):
    # x: (B, C, L); conv1d kernel-1 == matmul, BN in training mode (batch stats)
    for W, gamma, beta in layer_params:
        x = jnp.einsum('oc,bcl->bol', W, x)
        mean = jnp.mean(x, axis=(0, 2), keepdims=True)
        var = jnp.var(x, axis=(0, 2), keepdims=True)
        x = (x - mean) / jnp.sqrt(var + EPS)
        x = x * gamma[None, :, None] + beta[None, :, None]
        x = jax.nn.relu(x)
    return x


def _gather_points(pts, idx):
    # pts: (B, N, C), idx: (B, S, K) -> (B, S, K, C)
    B, S, K = idx.shape
    flat = idx.reshape(B, S * K)
    g = jnp.take_along_axis(pts, flat[:, :, None], axis=1)
    return g.reshape(B, S, K, pts.shape[-1])


def _forward(xyz, features, params, centroid_idx, group_idxs):
    new_xyz = jnp.take_along_axis(xyz, centroid_idx[:, :, None], axis=1)
    scale_feats = []
    for radius, k, layer_params, gidx in zip(RADII, N_SAMPLES, params, group_idxs):
        grouped_xyz = _gather_points(xyz, gidx) - new_xyz[:, :, None, :]
        grouped_feat = _gather_points(features, gidx)
        grouped = jnp.concatenate([grouped_xyz, grouped_feat], axis=-1)  # (B,S,K,C+3)
        grouped = jnp.transpose(grouped, (0, 3, 2, 1))  # (B,C+3,K,S)
        Bx, Cx, Kx, Sx = grouped.shape
        out = _shared_mlp(grouped.reshape(Bx, Cx, Kx * Sx), layer_params)
        out = out.reshape(Bx, -1, Kx, Sx)
        out = jnp.max(out, axis=2)
        scale_feats.append(jnp.transpose(out, (0, 2, 1)))
    new_feat = jnp.concatenate(scale_feats, axis=-1)
    return new_xyz, new_feat


def setup_inputs(seed: int = 0) -> dict:
    key = jax.random.key(seed)
    k1, k2, kw = jax.random.split(key, 3)
    xyz = jax.random.normal(k1, (8, 2048, 3), dtype=jnp.float32)
    features = jax.random.normal(k2, (8, 2048, IN_CHANNELS), dtype=jnp.float32)
    params = []
    for si, mlp in enumerate(MLPS):
        chans = [IN_CHANNELS + 3] + mlp
        layers = []
        for li in range(len(chans) - 1):
            kk = jax.random.fold_in(kw, li + 100 * si)
            W = jax.random.normal(kk, (chans[li + 1], chans[li]), dtype=jnp.float32) * 0.05
            gamma = jnp.ones((chans[li + 1],), dtype=jnp.float32)
            beta = jnp.zeros((chans[li + 1],), dtype=jnp.float32)
            layers.append((W, gamma, beta))
        params.append(layers)
    return {"xyz": xyz, "features": features, "params": params}


def reference(xyz, features, params):
    centroid_idx = _farthest_point_sample(xyz, N_POINTS)
    new_xyz = jnp.take_along_axis(xyz, centroid_idx[:, :, None], axis=1)
    group_idxs = [_ball_query(r, k, xyz, new_xyz) for r, k in zip(RADII, N_SAMPLES)]
    return _forward(xyz, features, params, centroid_idx, group_idxs)

if __name__ == "__main__":
    import jax
    _d = setup_inputs()
    print(jax.jit(kernel)(*tuple(_d.values())))

</pallas_src>

<mosaic_0001>
#map = affine_map<(d0, d1) -> (0, 0)>
#map1 = affine_map<(d0, d1) -> (0)>
module attributes {stable_mosaic.version = 14 : i64} {
  func.func @k(%arg0: i32, %arg1: i32, %arg2: memref<16384x128xf32, #tpu.memory_space<hbm>>, %arg3: memref<458752xi32, #tpu.memory_space<hbm>>, %arg4: memref<458752x128xf32, #tpu.memory_space<hbm>>, %arg5: memref<256xi32, #tpu.memory_space<vmem>>, %arg6: memref<256xi32, #tpu.memory_space<vmem>>, %arg7: memref<256x128xf32, #tpu.memory_space<vmem>>, %arg8: memref<256x128xf32, #tpu.memory_space<vmem>>, %arg9: memref<!tpu.dma_semaphore, #tpu.memory_space<semaphore_mem>>, %arg10: memref<!tpu.dma_semaphore, #tpu.memory_space<semaphore_mem>>, %arg11: memref<!tpu.dma_semaphore, #tpu.memory_space<semaphore_mem>>, %arg12: memref<!tpu.dma_semaphore, #tpu.memory_space<semaphore_mem>>) attributes {dimension_semantics = [#tpu.dimension_semantics<core_parallel>, #tpu.dimension_semantics<subcore_parallel>], iteration_bounds = array<i64: 2, 16>, scalar_prefetch = 0 : i64, scratch_operands = 8 : i64, tpu.core_type = #tpu.core_type<sc_vector_subcore>, window_params = [{transform_indices = #map}, {transform_indices = #map1}, {transform_indices = #map}]} {
    %mul3A = arith.constant 2 : i32
    %mul3A_0 = arith.muli %arg1, %mul3A : i32
    %add3A = arith.addi %mul3A_0, %arg0 : i32
    %mul3A_1 = arith.constant 14336 : i32
    %mul3A_2 = arith.muli %add3A, %mul3A_1 : i32
    %add3A_3 = arith.constant 0 : i32
    %add3A_4 = arith.addi %mul3A_2, %add3A_3 : i32
    "tpu.region"() ({
      %run_scoped3A = tpu.sem_alloc : memref<!tpu.dma_semaphore, #tpu.memory_space<semaphore_mem>>
      %dma_start3A_18 = tpu.memref_slice %arg3[%add3A_4] : memref<458752xi32, #tpu.memory_space<hbm>> -> memref<256xi32, #tpu.memory_space<hbm>>
      %dma_start3A_19 = tpu.memref_slice %arg3[%add3A_4] : memref<458752xi32, #tpu.memory_space<hbm>> -> memref<256xi32, #tpu.memory_space<hbm>>
      tpu.enqueue_dma source(%dma_start3A_19 : memref<256xi32, #tpu.memory_space<hbm>>) target(%arg5 : memref<256xi32, #tpu.memory_space<vmem>>) target_semaphore(%run_scoped3A : memref<!tpu.dma_semaphore, #tpu.memory_space<semaphore_mem>>)
      %dma_wait3A_20 = tpu.memref_slice %arg3[%add3A_4] : memref<458752xi32, #tpu.memory_space<hbm>> -> memref<256xi32, #tpu.memory_space<hbm>>
      %dma_wait3A_21 = tpu.memref_slice %arg3[%add3A_4] : memref<458752xi32, #tpu.memory_space<hbm>> -> memref<256xi32, #tpu.memory_space<hbm>>
      tpu.wait_dma2 semaphore(%run_scoped3A : memref<!tpu.dma_semaphore, #tpu.memory_space<semaphore_mem>>) src(%dma_wait3A_21 : memref<256xi32, #tpu.memory_space<hbm>>) dst(%arg5 : memref<256xi32, #tpu.memory_space<vmem>>)
      tpu.yield
    }) : () -> ()
    %dma_start3A = arith.constant 0 : i32
    %dma_start3A_5 = arith.constant 0 : i32
    %dma_start3A_6 = tpu.memref_slice %arg2[%dma_start3A, %dma_start3A_5] : memref<16384x128xf32, #tpu.memory_space<hbm>> -> memref<16384x128xf32, #tpu.memory_space<hbm>>
    tpu.enqueue_indirect_dma source(%dma_start3A_6 : memref<16384x128xf32, #tpu.memory_space<hbm>>) target(%arg7 : memref<256x128xf32, #tpu.memory_space<vmem>>) offsets(%arg5 : memref<256xi32, #tpu.memory_space<vmem>>) semaphore(%arg9 : memref<!tpu.dma_semaphore, #tpu.memory_space<semaphore_mem>>)
    %scan3A = arith.constant 0 : i32
    %scan3A_7 = arith.constant 0 : i32
    %scan3A_8 = arith.constant 28 : i32
    %scan3A_9 = arith.addi %scan3A_7, %scan3A_8 : i32
    %scan3A_10 = arith.constant 1 : i32
    %scan3A_11 = scf.for %scan3A_18 = %scan3A_7 to %scan3A_9 step %scan3A_10 iter_args(%scan3A_19 = %scan3A) -> (i32)  : i32 {
      %gt3A = arith.constant 0 : i32
      %gt3A_20 = arith.cmpi sgt, %scan3A_18, %gt3A : i32
      %convert_element_type3A = arith.extui %gt3A_20 : i1 to i32
      %cond3A = arith.constant 0 : i32
      %cond3A_21 = arith.cmpi ne, %convert_element_type3A, %cond3A : i32
      scf.if %cond3A_21 {
        %dma_wait3A_71 = arith.constant 0 : i32
        %dma_wait3A_72 = arith.constant 0 : i32
        %dma_wait3A_73 = tpu.memref_slice %arg4[%dma_wait3A_71, %dma_wait3A_72] : memref<458752x128xf32, #tpu.memory_space<hbm>> -> memref<256x128xf32, #tpu.memory_space<hbm>>
        %dma_wait3A_74 = arith.constant 0 : i32
        %dma_wait3A_75 = arith.constant 0 : i32
        %dma_wait3A_76 = tpu.memref_slice %arg4[%dma_wait3A_74, %dma_wait3A_75] : memref<458752x128xf32, #tpu.memory_space<hbm>> -> memref<256x128xf32, #tpu.memory_space<hbm>>
        tpu.wait_dma2 semaphore(%arg12 : memref<!tpu.dma_semaphore, #tpu.memory_space<semaphore_mem>>) src(%arg8 : memref<256x128xf32, #tpu.memory_space<vmem>>) dst(%dma_wait3A_76 : memref<256x128xf32, #tpu.memory_space<hbm>>)
      } else {
      }
      %mul3A_22 = arith.constant 2 : i32
      %mul3A_23 = arith.muli %mul3A_22, %scan3A_18 : i32
      %add3A_24 = arith.constant 1 : i32
      %add3A_25 = arith.addi %mul3A_23, %add3A_24 : i32
      %mul3A_26 = arith.constant 256 : i32
      %mul3A_27 = arith.muli %add3A_25, %mul3A_26 : i32
      %add3A_28 = arith.addi %mul3A_2, %mul3A_27 : i32
      "tpu.region"() ({
        %run_scoped3A = tpu.sem_alloc : memref<!tpu.dma_semaphore, #tpu.memory_space<semaphore_mem>>
        %dma_start3A_71 = tpu.memref_slice %arg3[%add3A_28] : memref<458752xi32, #tpu.memory_space<hbm>> -> memref<256xi32, #tpu.memory_space<hbm>>
        %dma_start3A_72 = tpu.memref_slice %arg3[%add3A_28] : memref<458752xi32, #tpu.memory_space<hbm>> -> memref<256xi32, #tpu.memory_space<hbm>>
        tpu.enqueue_dma source(%dma_start3A_72 : memref<256xi32, #tpu.memory_space<hbm>>) target(%arg6 : memref<256xi32, #tpu.memory_space<vmem>>) target_semaphore(%run_scoped3A : memref<!tpu.dma_semaphore, #tpu.memory_space<semaphore_mem>>)
        %dma_wait3A_73 = tpu.memref_slice %arg3[%add3A_28] : memref<458752xi32, #tpu.memory_space<hbm>> -> memref<256xi32, #tpu.memory_space<hbm>>
        %dma_wait3A_74 = tpu.memref_slice %arg3[%add3A_28] : memref<458752xi32, #tpu.memory_space<hbm>> -> memref<256xi32, #tpu.memory_space<hbm>>
        tpu.wait_dma2 semaphore(%run_scoped3A : memref<!tpu.dma_semaphore, #tpu.memory_space<semaphore_mem>>) src(%dma_wait3A_74 : memref<256xi32, #tpu.memory_space<hbm>>) dst(%arg6 : memref<256xi32, #tpu.memory_space<vmem>>)
        tpu.yield
      }) : () -> ()
      %dma_start3A_29 = arith.constant 0 : i32
      %dma_start3A_30 = arith.constant 0 : i32
      %dma_start3A_31 = tpu.memref_slice %arg2[%dma_start3A_29, %dma_start3A_30] : memref<16384x128xf32, #tpu.memory_space<hbm>> -> memref<16384x128xf32, #tpu.memory_space<hbm>>
      tpu.enqueue_indirect_dma source(%dma_start3A_31 : memref<16384x128xf32, #tpu.memory_space<hbm>>) target(%arg8 : memref<256x128xf32, #tpu.memory_space<vmem>>) offsets(%arg6 : memref<256xi32, #tpu.memory_space<vmem>>) semaphore(%arg10 : memref<!tpu.dma_semaphore, #tpu.memory_space<semaphore_mem>>)
      %dma_wait3A_32 = arith.constant 0 : i32
      %dma_wait3A_33 = arith.constant 0 : i32
      %dma_wait3A_34 = tpu.memref_slice %arg2[%dma_wait3A_32, %dma_wait3A_33] : memref<16384x128xf32, #tpu.memory_space<hbm>> -> memref<16384x128xf32, #tpu.memory_space<hbm>>
      tpu.wait_indirect_dma semaphore(%arg9 : memref<!tpu.dma_semaphore, #tpu.memory_space<semaphore_mem>>) src(%dma_wait3A_34 : memref<16384x128xf32, #tpu.memory_space<hbm>>) dst(%arg7 : memref<256x128xf32, #tpu.memory_space<vmem>>)
      %mul3A_35 = arith.constant 2 : i32
      %mul3A_36 = arith.muli %mul3A_35, %scan3A_18 : i32
      %mul3A_37 = arith.constant 256 : i32
      %mul3A_38 = arith.muli %mul3A_36, %mul3A_37 : i32
      %add3A_39 = arith.addi %mul3A_2, %mul3A_38 : i32
      %dma_start3A_40 = arith.constant 0 : i32
      %dma_start3A_41 = tpu.memref_slice %arg4[%add3A_39, %dma_start3A_40] : memref<458752x128xf32, #tpu.memory_space<hbm>> -> memref<256x128xf32, #tpu.memory_space<hbm>>
      %dma_start3A_42 = arith.constant 0 : i32
      %dma_start3A_43 = tpu.memref_slice %arg4[%add3A_39, %dma_start3A_42] : memref<458752x128xf32, #tpu.memory_space<hbm>> -> memref<256x128xf32, #tpu.memory_space<hbm>>
      tpu.enqueue_dma source(%arg7 : memref<256x128xf32, #tpu.memory_space<vmem>>) target(%dma_start3A_43 : memref<256x128xf32, #tpu.memory_space<hbm>>) target_semaphore(%arg11 : memref<!tpu.dma_semaphore, #tpu.memory_space<semaphore_mem>>)
      %dma_wait3A_44 = arith.constant 0 : i32
      %dma_wait3A_45 = arith.constant 0 : i32
      %dma_wait3A_46 = tpu.memref_slice %arg4[%dma_wait3A_44, %dma_wait3A_45] : memref<458752x128xf32, #tpu.memory_space<hbm>> -> memref<256x128xf32, #tpu.memory_space<hbm>>
      %dma_wait3A_47 = arith.constant 0 : i32
      %dma_wait3A_48 = arith.constant 0 : i32
      %dma_wait3A_49 = tpu.memref_slice %arg4[%dma_wait3A_47, %dma_wait3A_48] : memref<458752x128xf32, #tpu.memory_space<hbm>> -> memref<256x128xf32, #tpu.memory_space<hbm>>
      tpu.wait_dma2 semaphore(%arg11 : memref<!tpu.dma_semaphore, #tpu.memory_space<semaphore_mem>>) src(%arg7 : memref<256x128xf32, #tpu.memory_space<vmem>>) dst(%dma_wait3A_49 : memref<256x128xf32, #tpu.memory_space<hbm>>)
      %add3A_50 = arith.constant 1 : i32
      %add3A_51 = arith.addi %scan3A_18, %add3A_50 : i32
      %lt3A = arith.constant 28 : i32
      %lt3A_52 = arith.cmpi slt, %add3A_51, %lt3A : i32
      %convert_element_type3A_53 = arith.extui %lt3A_52 : i1 to i32
      %cond3A_54 = arith.constant 0 : i32
      %cond3A_55 = arith.cmpi ne, %convert_element_type3A_53, %cond3A_54 : i32
      scf.if %cond3A_55 {
        %mul3A_71 = arith.constant 2 : i32
        %mul3A_72 = arith.muli %mul3A_71, %scan3A_18 : i32
        %add3A_73 = arith.constant 2 : i32
        %add3A_74 = arith.addi %mul3A_72, %add3A_73 : i32
        %mul3A_75 = arith.constant 256 : i32
        %mul3A_76 = arith.muli %add3A_74, %mul3A_75 : i32
        %add3A_77 = arith.addi %mul3A_2, %mul3A_76 : i32
        "tpu.region"() ({
          %run_scoped3A = tpu.sem_alloc : memref<!tpu.dma_semaphore, #tpu.memory_space<semaphore_mem>>
          %dma_start3A_81 = tpu.memref_slice %arg3[%add3A_77] : memref<458752xi32, #tpu.memory_space<hbm>> -> memref<256xi32, #tpu.memory_space<hbm>>
          %dma_start3A_82 = tpu.memref_slice %arg3[%add3A_77] : memref<458752xi32, #tpu.memory_space<hbm>> -> memref<256xi32, #tpu.memory_space<hbm>>
          tpu.enqueue_dma source(%dma_start3A_82 : memref<256xi32, #tpu.memory_space<hbm>>) target(%arg5 : memref<256xi32, #tpu.memory_space<vmem>>) target_semaphore(%run_scoped3A : memref<!tpu.dma_semaphore, #tpu.memory_space<semaphore_mem>>)
          %dma_wait3A_83 = tpu.memref_slice %arg3[%add3A_77] : memref<458752xi32, #tpu.memory_space<hbm>> -> memref<256xi32, #tpu.memory_space<hbm>>
          %dma_wait3A_84 = tpu.memref_slice %arg3[%add3A_77] : memref<458752xi32, #tpu.memory_space<hbm>> -> memref<256xi32, #tpu.memory_space<hbm>>
          tpu.wait_dma2 semaphore(%run_scoped3A : memref<!tpu.dma_semaphore, #tpu.memory_space<semaphore_mem>>) src(%dma_wait3A_84 : memref<256xi32, #tpu.memory_space<hbm>>) dst(%arg5 : memref<256xi32, #tpu.memory_space<vmem>>)
          tpu.yield
        }) : () -> ()
        %dma_start3A_78 = arith.constant 0 : i32
        %dma_start3A_79 = arith.constant 0 : i32
        %dma_start3A_80 = tpu.memref_slice %arg2[%dma_start3A_78, %dma_start3A_79] : memref<16384x128xf32, #tpu.memory_space<hbm>> -> memref<16384x128xf32, #tpu.memory_space<hbm>>
        tpu.enqueue_indirect_dma source(%dma_start3A_80 : memref<16384x128xf32, #tpu.memory_space<hbm>>) target(%arg7 : memref<256x128xf32, #tpu.memory_space<vmem>>) offsets(%arg5 : memref<256xi32, #tpu.memory_space<vmem>>) semaphore(%arg9 : memref<!tpu.dma_semaphore, #tpu.memory_space<semaphore_mem>>)
      } else {
      }
      %dma_wait3A_56 = arith.constant 0 : i32
      %dma_wait3A_57 = arith.constant 0 : i32
      %dma_wait3A_58 = tpu.memref_slice %arg2[%dma_wait3A_56, %dma_wait3A_57] : memref<16384x128xf32, #tpu.memory_space<hbm>> -> memref<16384x128xf32, #tpu.memory_space<hbm>>
      tpu.wait_indirect_dma semaphore(%arg10 : memref<!tpu.dma_semaphore, #tpu.memory_space<semaphore_mem>>) src(%dma_wait3A_58 : memref<16384x128xf32, #tpu.memory_space<hbm>>) dst(%arg8 : memref<256x128xf32, #tpu.memory_space<vmem>>)
      %mul3A_59 = arith.constant 2 : i32
      %mul3A_60 = arith.muli %mul3A_59, %scan3A_18 : i32
      %add3A_61 = arith.constant 1 : i32
      %add3A_62 = arith.addi %mul3A_60, %add3A_61 : i32
      %mul3A_63 = arith.constant 256 : i32
      %mul3A_64 = arith.muli %add3A_62, %mul3A_63 : i32
      %add3A_65 = arith.addi %mul3A_2, %mul3A_64 : i32
      %dma_start3A_66 = arith.constant 0 : i32
      %dma_start3A_67 = tpu.memref_slice %arg4[%add3A_65, %dma_start3A_66] : memref<458752x128xf32, #tpu.memory_space<hbm>> -> memref<256x128xf32, #tpu.memory_space<hbm>>
      %dma_start3A_68 = arith.constant 0 : i32
      %dma_start3A_69 = tpu.memref_slice %arg4[%add3A_65, %dma_start3A_68] : memref<458752x128xf32, #tpu.memory_space<hbm>> -> memref<256x128xf32, #tpu.memory_space<hbm>>
      tpu.enqueue_dma source(%arg8 : memref<256x128xf32, #tpu.memory_space<vmem>>) target(%dma_start3A_69 : memref<256x128xf32, #tpu.memory_space<hbm>>) target_semaphore(%arg12 : memref<!tpu.dma_semaphore, #tpu.memory_space<semaphore_mem>>)
      %scan3A_70 = arith.constant 0 : i32
      scf.yield %scan3A_70 : i32
    }
    %scan3A_12 = arith.constant 28 : i32
    %dma_wait3A = arith.constant 0 : i32
    %dma_wait3A_13 = arith.constant 0 : i32
    %dma_wait3A_14 = tpu.memref_slice %arg4[%dma_wait3A, %dma_wait3A_13] : memref<458752x128xf32, #tpu.memory_space<hbm>> -> memref<256x128xf32, #tpu.memory_space<hbm>>
    %dma_wait3A_15 = arith.constant 0 : i32
    %dma_wait3A_16 = arith.constant 0 : i32
    %dma_wait3A_17 = tpu.memref_slice %arg4[%dma_wait3A_15, %dma_wait3A_16] : memref<458752x128xf32, #tpu.memory_space<hbm>> -> memref<256x128xf32, #tpu.memory_space<hbm>>
    tpu.wait_dma2 semaphore(%arg12 : memref<!tpu.dma_semaphore, #tpu.memory_space<semaphore_mem>>) src(%arg8 : memref<256x128xf32, #tpu.memory_space<vmem>>) dst(%dma_wait3A_17 : memref<256x128xf32, #tpu.memory_space<hbm>>)
    return
  }
}

module attributes {stable_mosaic.version = 14 : i64} {
  func.func @_fps_body(%arg0: memref<3x8x2048xf32, #tpu.memory_space<vmem>>, %arg1: memref<8x512xf32, #tpu.memory_space<vmem>>, %arg2: memref<8x512xf32, #tpu.memory_space<vmem>>, %arg3: memref<8x512xf32, #tpu.memory_space<vmem>>) attributes {dimension_semantics = [], scalar_prefetch = 0 : i64, scratch_operands = 0 : i64, tpu.core_type = #tpu.core_type<tc>} {
    %get3A = arith.constant 0 : index
    %get3A_0 = arith.constant 0 : index
    %get3A_1 = arith.constant 0 : index
    %get3A_2 = vector.load %arg0[%get3A, %get3A_0, %get3A_1] : memref<3x8x2048xf32, #tpu.memory_space<vmem>>, vector<1x8x2048xf32>
    %get3A_3 = vector.shape_cast %get3A_2 : vector<1x8x2048xf32> to vector<8x2048xf32>
    %get3A_4 = arith.constant 1 : index
    %get3A_5 = arith.constant 0 : index
    %get3A_6 = arith.constant 0 : index
    %get3A_7 = vector.load %arg0[%get3A_4, %get3A_5, %get3A_6] : memref<3x8x2048xf32, #tpu.memory_space<vmem>>, vector<1x8x2048xf32>
    %get3A_8 = vector.shape_cast %get3A_7 : vector<1x8x2048xf32> to vector<8x2048xf32>
    %get3A_9 = arith.constant 2 : index
    %get3A_10 = arith.constant 0 : index
    %get3A_11 = arith.constant 0 : index
    %get3A_12 = vector.load %arg0[%get3A_9, %get3A_10, %get3A_11] : memref<3x8x2048xf32, #tpu.memory_space<vmem>>, vector<1x8x2048xf32>
    %get3A_13 = vector.shape_cast %get3A_12 : vector<1x8x2048xf32> to vector<8x2048xf32>
    %iota3A = tpu.iota {dimensions = array<i32: 1>} : vector<8x2048xi32>
    %iota3A_14 = tpu.iota {dimensions = array<i32: 1>} : vector<8x512xi32>
    %broadcast_in_dim3A = arith.constant 0x7F800000 : f32
    %broadcast_in_dim3A_15 = vector.broadcast %broadcast_in_dim3A : f32 to vector<8x2048xf32>
    %broadcast_in_dim3A_16 = arith.constant 0 : i32
    %broadcast_in_dim3A_17 = vector.broadcast %broadcast_in_dim3A_16 : i32 to vector<8x1xi32>
    %broadcast_in_dim3A_18 = arith.constant 0.000000e+00 : f32
    %broadcast_in_dim3A_19 = vector.broadcast %broadcast_in_dim3A_18 : f32 to vector<8x512xf32>
    %broadcast_in_dim3A_20 = arith.constant 0.000000e+00 : f32
    %broadcast_in_dim3A_21 = vector.broadcast %broadcast_in_dim3A_20 : f32 to vector<8x512xf32>
    %broadcast_in_dim3A_22 = arith.constant 0.000000e+00 : f32
    %broadcast_in_dim3A_23 = vector.broadcast %broadcast_in_dim3A_22 : f32 to vector<8x512xf32>
    %scan3A = arith.constant 0 : i32
    %scan3A_24 = arith.constant 512 : i32
    %scan3A_25 = arith.addi %scan3A, %scan3A_24 : i32
    %scan3A_26 = arith.constant 1 : i32
    %scan3A_27:5 = scf.for %scan3A_37 = %scan3A to %scan3A_25 step %scan3A_26 iter_args(%scan3A_38 = %broadcast_in_dim3A_15, %scan3A_39 = %broadcast_in_dim3A_17, %scan3A_40 = %broadcast_in_dim3A_19, %scan3A_41 = %broadcast_in_dim3A_21, %scan3A_42 = %broadcast_in_dim3A_23) -> (vector<8x2048xf32>, vector<8x1xi32>, vector<8x512xf32>, vector<8x512xf32>, vector<8x512xf32>)  : i32 {
      %eq3A = vector.broadcast %scan3A_39 : vector<8x1xi32> to vector<8x2048xi32>
      %eq3A_43 = arith.cmpi eq, %iota3A, %eq3A : vector<8x2048xi32>
      %jit3A = arith.constant 0.000000e+00 : f32
      %broadcast_in_dim3A_44 = vector.broadcast %jit3A : f32 to vector<8x2048xf32>
      %select_n3A = arith.select %eq3A_43, %get3A_3, %broadcast_in_dim3A_44 : vector<8x2048xi1>, vector<8x2048xf32>
      %reduce_sum3A = arith.constant dense<0.000000e+00> : vector<8xf32>
      %reduce_sum3A_45 = vector.multi_reduction <add>, %select_n3A, %reduce_sum3A [1] : vector<8x2048xf32> to vector<8xf32>
      %broadcast_in_dim3A_46 = vector.shape_cast %reduce_sum3A_45 : vector<8xf32> to vector<8x1xf32>
      %jit3A_47 = arith.constant 0.000000e+00 : f32
      %broadcast_in_dim3A_48 = vector.broadcast %jit3A_47 : f32 to vector<8x2048xf32>
      %select_n3A_49 = arith.select %eq3A_43, %get3A_8, %broadcast_in_dim3A_48 : vector<8x2048xi1>, vector<8x2048xf32>
      %reduce_sum3A_50 = arith.constant dense<0.000000e+00> : vector<8xf32>
      %reduce_sum3A_51 = vector.multi_reduction <add>, %select_n3A_49, %reduce_sum3A_50 [1] : vector<8x2048xf32> to vector<8xf32>
      %broadcast_in_dim3A_52 = vector.shape_cast %reduce_sum3A_51 : vector<8xf32> to vector<8x1xf32>
      %jit3A_53 = arith.constant 0.000000e+00 : f32
      %broadcast_in_dim3A_54 = vector.broadcast %jit3A_53 : f32 to vector<8x2048xf32>
      %select_n3A_55 = arith.select %eq3A_43, %get3A_13, %broadcast_in_dim3A_54 : vector<8x2048xi1>, vector<8x2048xf32>
      %reduce_sum3A_56 = arith.constant dense<0.000000e+00> : vector<8xf32>
      %reduce_sum3A_57 = vector.multi_reduction <add>, %select_n3A_55, %reduce_sum3A_56 [1] : vector<8x2048xf32> to vector<8xf32>
      %broadcast_in_dim3A_58 = vector.shape_cast %reduce_sum3A_57 : vector<8xf32> to vector<8x1xf32>
      %eq3A_59 = vector.broadcast %scan3A_37 : i32 to vector<8x512xi32>
      %eq3A_60 = arith.cmpi eq, %iota3A_14, %eq3A_59 : vector<8x512xi32>
      %broadcast_in_dim3A_61 = vector.shape_cast %broadcast_in_dim3A_46 : vector<8x1xf32> to vector<8x1xf32>
      %broadcast_in_dim3A_62 = vector.broadcast %broadcast_in_dim3A_61 : vector<8x1xf32> to vector<8x512xf32>
      %select_n3A_63 = arith.select %eq3A_60, %broadcast_in_dim3A_62, %scan3A_40 : vector<8x512xi1>, vector<8x512xf32>
      %eq3A_64 = vector.broadcast %scan3A_37 : i32 to vector<8x512xi32>
      %eq3A_65 = arith.cmpi eq, %iota3A_14, %eq3A_64 : vector<8x512xi32>
      %broadcast_in_dim3A_66 = vector.shape_cast %broadcast_in_dim3A_52 : vector<8x1xf32> to vector<8x1xf32>
      %broadcast_in_dim3A_67 = vector.broadcast %broadcast_in_dim3A_66 : vector<8x1xf32> to vector<8x512xf32>
      %select_n3A_68 = arith.select %eq3A_65, %broadcast_in_dim3A_67, %scan3A_41 : vector<8x512xi1>, vector<8x512xf32>
      %eq3A_69 = vector.broadcast %scan3A_37 : i32 to vector<8x512xi32>
      %eq3A_70 = arith.cmpi eq, %iota3A_14, %eq3A_69 : vector<8x512xi32>
      %broadcast_in_dim3A_71 = vector.shape_cast %broadcast_in_dim3A_58 : vector<8x1xf32> to vector<8x1xf32>
      %broadcast_in_dim3A_72 = vector.broadcast %broadcast_in_dim3A_71 : vector<8x1xf32> to vector<8x512xf32>
      %select_n3A_73 = arith.select %eq3A_70, %broadcast_in_dim3A_72, %scan3A_42 : vector<8x512xi1>, vector<8x512xf32>
      %sub3A = vector.broadcast %broadcast_in_dim3A_46 : vector<8x1xf32> to vector<8x2048xf32>
      %sub3A_74 = arith.subf %get3A_3, %sub3A : vector<8x2048xf32>
      %sub3A_75 = vector.broadcast %broadcast_in_dim3A_52 : vector<8x1xf32> to vector<8x2048xf32>
      %sub3A_76 = arith.subf %get3A_8, %sub3A_75 : vector<8x2048xf32>
      %sub3A_77 = vector.broadcast %broadcast_in_dim3A_58 : vector<8x1xf32> to vector<8x2048xf32>
      %sub3A_78 = arith.subf %get3A_13, %sub3A_77 : vector<8x2048xf32>
      %mul3A = arith.mulf %sub3A_74, %sub3A_74 : vector<8x2048xf32>
      %mul3A_79 = arith.mulf %sub3A_76, %sub3A_76 : vector<8x2048xf32>
      %add3A = arith.addf %mul3A, %mul3A_79 : vector<8x2048xf32>
      %mul3A_80 = arith.mulf %sub3A_78, %sub3A_78 : vector<8x2048xf32>
      %add3A_81 = arith.addf %add3A, %mul3A_80 : vector<8x2048xf32>
      %min3A = arith.minimumf %scan3A_38, %add3A_81 : vector<8x2048xf32>
      %reduce_max3A = arith.constant dense<0xFF800000> : vector<8xf32>
      %reduce_max3A_82 = vector.multi_reduction <maximumf>, %min3A, %reduce_max3A [1] : vector<8x2048xf32> to vector<8xf32>
      %broadcast_in_dim3A_83 = vector.shape_cast %reduce_max3A_82 : vector<8xf32> to vector<8x1xf32>
      %eq3A_84 = vector.broadcast %broadcast_in_dim3A_83 : vector<8x1xf32> to vector<8x2048xf32>
      %eq3A_85 = arith.cmpf oeq, %min3A, %eq3A_84 : vector<8x2048xf32>
      %jit3A_86 = arith.constant 2048 : i32
      %broadcast_in_dim3A_87 = vector.broadcast %jit3A_86 : i32 to vector<8x2048xi32>
      %select_n3A_88 = arith.select %eq3A_85, %iota3A, %broadcast_in_dim3A_87 : vector<8x2048xi1>, vector<8x2048xi32>
      %reduce_min3A = arith.constant dense<2147483647> : vector<8xi32>
      %reduce_min3A_89 = vector.multi_reduction <minsi>, %select_n3A_88, %reduce_min3A [1] : vector<8x2048xi32> to vector<8xi32>
      %broadcast_in_dim3A_90 = vector.shape_cast %reduce_min3A_89 : vector<8xi32> to vector<8x1xi32>
      scf.yield %min3A, %broadcast_in_dim3A_90, %select_n3A_63, %select_n3A_68, %select_n3A_73 : vector<8x2048xf32>, vector<8x1xi32>, vector<8x512xf32>, vector<8x512xf32>, vector<8x512xf32>
    }
    %scan3A_28 = arith.constant 512 : i32
    %swap3A = arith.constant 0 : index
    %swap3A_29 = arith.constant 0 : index
    %swap3A_30 = vector.load %arg1[%swap3A, %swap3A_29] : memref<8x512xf32, #tpu.memory_space<vmem>>, vector<8x512xf32>
    tpu.vector_store %arg1[%swap3A, %swap3A_29], %scan3A_27#2 {strides = array<i32>} : memref<8x512xf32, #tpu.memory_space<vmem>>, vector<8x512xf32>,
    %swap3A_31 = arith.constant 0 : index
    %swap3A_32 = arith.constant 0 : index
    %swap3A_33 = vector.load %arg2[%swap3A_31, %swap3A_32] : memref<8x512xf32, #tpu.memory_space<vmem>>, vector<8x512xf32>
    tpu.vector_store %arg2[%swap3A_31, %swap3A_32], %scan3A_27#3 {strides = array<i32>} : memref<8x512xf32, #tpu.memory_space<vmem>>, vector<8x512xf32>,
    %swap3A_34 = arith.constant 0 : index
    %swap3A_35 = arith.constant 0 : index
    %swap3A_36 = vector.load %arg3[%swap3A_34, %swap3A_35] : memref<8x512xf32, #tpu.memory_space<vmem>>, vector<8x512xf32>
    tpu.vector_store %arg3[%swap3A_34, %swap3A_35], %scan3A_27#4 {strides = array<i32>} : memref<8x512xf32, #tpu.memory_space<vmem>>, vector<8x512xf32>,
    return
  }
}

module attributes {stable_mosaic.version = 14 : i64} {
  func.func @_bq_body(%arg0: i32, %arg1: i32, %arg2: memref<1x3x2048xf32, #tpu.memory_space<vmem>>, %arg3: memref<1x512x3xf32, #tpu.memory_space<vmem>>, %arg4: memref<1x512x112xi32, #tpu.memory_space<vmem>>) attributes {dimension_semantics = [#tpu.dimension_semantics<arbitrary>, #tpu.dimension_semantics<arbitrary>], iteration_bounds = array<i64: 8, 1>, scalar_prefetch = 0 : i64, scratch_operands = 0 : i64, tpu.core_type = #tpu.core_type<tc>, window_params = [{transform_indices = @transform_0, window_bounds = array<i64: 1, 3, 2048>}, {transform_indices = @transform_1, window_bounds = array<i64: 1, 512, 3>}, {transform_indices = @transform_2, window_bounds = array<i64: 1, 512, 112>}]} {
    %get3A = arith.constant 0 : index
    %get3A_0 = arith.constant 0 : index
    %get3A_1 = arith.constant 0 : index
    %get3A_2 = vector.load %arg2[%get3A, %get3A_0, %get3A_1] : memref<1x3x2048xf32, #tpu.memory_space<vmem>>, vector<1x1x2048xf32>
    %get3A_3 = vector.shape_cast %get3A_2 : vector<1x1x2048xf32> to vector<1x2048xf32>
    %get3A_4 = arith.constant 0 : index
    %get3A_5 = arith.constant 1 : index
    %get3A_6 = arith.constant 0 : index
    %get3A_7 = vector.load %arg2[%get3A_4, %get3A_5, %get3A_6] : memref<1x3x2048xf32, #tpu.memory_space<vmem>>, vector<1x1x2048xf32>
    %get3A_8 = vector.shape_cast %get3A_7 : vector<1x1x2048xf32> to vector<1x2048xf32>
    %get3A_9 = arith.constant 0 : index
    %get3A_10 = arith.constant 2 : index
    %get3A_11 = arith.constant 0 : index
    %get3A_12 = vector.load %arg2[%get3A_9, %get3A_10, %get3A_11] : memref<1x3x2048xf32, #tpu.memory_space<vmem>>, vector<1x1x2048xf32>
    %get3A_13 = vector.shape_cast %get3A_12 : vector<1x1x2048xf32> to vector<1x2048xf32>
    %get3A_14 = arith.constant 0 : index
    %get3A_15 = arith.constant 0 : index
    %get3A_16 = arith.constant 0 : index
    %get3A_17 = vector.load %arg3[%get3A_14, %get3A_15, %get3A_16] : memref<1x512x3xf32, #tpu.memory_space<vmem>>, vector<1x512x1xf32>
    %get3A_18 = vector.shape_cast %get3A_17 : vector<1x512x1xf32> to vector<512x1xf32>
    %get3A_19 = arith.constant 0 : index
    %get3A_20 = arith.constant 0 : index
    %get3A_21 = arith.constant 1 : index
    %get3A_22 = vector.load %arg3[%get3A_19, %get3A_20, %get3A_21] : memref<1x512x3xf32, #tpu.memory_space<vmem>>, vector<1x512x1xf32>
    %get3A_23 = vector.shape_cast %get3A_22 : vector<1x512x1xf32> to vector<512x1xf32>
    %get3A_24 = arith.constant 0 : index
    %get3A_25 = arith.constant 0 : index
    %get3A_26 = arith.constant 2 : index
    %get3A_27 = vector.load %arg3[%get3A_24, %get3A_25, %get3A_26] : memref<1x512x3xf32, #tpu.memory_space<vmem>>, vector<1x512x1xf32>
    %get3A_28 = vector.shape_cast %get3A_27 : vector<1x512x1xf32> to vector<512x1xf32>
    %mul3A = vector.broadcast %get3A_18 : vector<512x1xf32> to vector<512x2048xf32>
    %mul3A_29 = vector.broadcast %get3A_3 : vector<1x2048xf32> to vector<512x2048xf32>
    %mul3A_30 = arith.mulf %mul3A, %mul3A_29 : vector<512x2048xf32>
    %mul3A_31 = vector.broadcast %get3A_23 : vector<512x1xf32> to vector<512x2048xf32>
    %mul3A_32 = vector.broadcast %get3A_8 : vector<1x2048xf32> to vector<512x2048xf32>
    %mul3A_33 = arith.mulf %mul3A_31, %mul3A_32 : vector<512x2048xf32>
    %add3A = arith.addf %mul3A_30, %mul3A_33 : vector<512x2048xf32>
    %mul3A_34 = vector.broadcast %get3A_28 : vector<512x1xf32> to vector<512x2048xf32>
    %mul3A_35 = vector.broadcast %get3A_13 : vector<1x2048xf32> to vector<512x2048xf32>
    %mul3A_36 = arith.mulf %mul3A_34, %mul3A_35 : vector<512x2048xf32>
    %add3A_37 = arith.addf %add3A, %mul3A_36 : vector<512x2048xf32>
    %mul3A_38 = arith.mulf %get3A_18, %get3A_18 : vector<512x1xf32>
    %mul3A_39 = arith.mulf %get3A_23, %get3A_23 : vector<512x1xf32>
    %add3A_40 = arith.addf %mul3A_38, %mul3A_39 : vector<512x1xf32>
    %mul3A_41 = arith.mulf %get3A_28, %get3A_28 : vector<512x1xf32>
    %add3A_42 = arith.addf %add3A_40, %mul3A_41 : vector<512x1xf32>
    %mul3A_43 = arith.mulf %get3A_3, %get3A_3 : vector<1x2048xf32>
    %mul3A_44 = arith.mulf %get3A_8, %get3A_8 : vector<1x2048xf32>
    %add3A_45 = arith.addf %mul3A_43, %mul3A_44 : vector<1x2048xf32>
    %mul3A_46 = arith.mulf %get3A_13, %get3A_13 : vector<1x2048xf32>
    %add3A_47 = arith.addf %add3A_45, %mul3A_46 : vector<1x2048xf32>
    %mul3A_48 = arith.constant -2.000000e+00 : f32
    %mul3A_49 = vector.broadcast %mul3A_48 : f32 to vector<512x2048xf32>
    %mul3A_50 = arith.mulf %mul3A_49, %add3A_37 : vector<512x2048xf32>
    %add3A_51 = vector.broadcast %add3A_42 : vector<512x1xf32> to vector<512x2048xf32>
    %add3A_52 = arith.addf %mul3A_50, %add3A_51 : vector<512x2048xf32>
    %add3A_53 = vector.broadcast %add3A_47 : vector<1x2048xf32> to vector<512x2048xf32>
    %add3A_54 = arith.addf %add3A_52, %add3A_53 : vector<512x2048xf32>
    %max3A = arith.constant 0.000000e+00 : f32
    %max3A_55 = vector.broadcast %max3A : f32 to vector<512x2048xf32>
    %max3A_56 = arith.maximumf %add3A_54, %max3A_55 : vector<512x2048xf32>
    %iota3A = tpu.iota {dimensions = array<i32: 1>} : vector<512x2048xi32>
    %mul3A_57 = arith.constant 2048 : i32
    %mul3A_58 = arith.muli %arg0, %mul3A_57 : i32
    %le3A = arith.constant 4.000000e-02 : f32
    %le3A_59 = vector.broadcast %le3A : f32 to vector<512x2048xf32>
    %le3A_60 = arith.cmpf ole, %max3A_56, %le3A_59 : vector<512x2048xf32>
    %jit3A = arith.constant 2048 : i32
    %broadcast_in_dim3A = vector.broadcast %jit3A : i32 to vector<512x2048xi32>
    %select_n3A = arith.select %le3A_60, %iota3A, %broadcast_in_dim3A : vector<512x2048xi1>, vector<512x2048xi32>
    %reduce_min3A = arith.constant dense<2147483647> : vector<512xi32>
    %reduce_min3A_61 = vector.multi_reduction <minsi>, %select_n3A, %reduce_min3A [1] : vector<512x2048xi32> to vector<512xi32>
    %broadcast_in_dim3A_62 = vector.shape_cast %reduce_min3A_61 : vector<512xi32> to vector<512x1xi32>
    %convert_element_type3A = arith.extui %le3A_60 : vector<512x2048xi1> to vector<512x2048xi32>
    %broadcast_in_dim3A_63 = arith.constant 0 : i32
    %broadcast_in_dim3A_64 = vector.broadcast %broadcast_in_dim3A_63 : i32 to vector<512x1xi32>
    %slice3A = vector.extract_strided_slice %convert_element_type3A {offsets = [0, 0], sizes = [512, 2047], strides = [1, 1]} : vector<512x2048xi32> to vector<512x2047xi32>
    %concatenate3A = tpu.concatenate %broadcast_in_dim3A_64, %slice3A in 1 : vector<512x1xi32>, vector<512x2047xi32> -> vector<512x2048xi32>
    %add3A_65 = arith.addi %convert_element_type3A, %concatenate3A : vector<512x2048xi32>
    %broadcast_in_dim3A_66 = arith.constant 0 : i32
    %broadcast_in_dim3A_67 = vector.broadcast %broadcast_in_dim3A_66 : i32 to vector<512x2xi32>
    %slice3A_68 = vector.extract_strided_slice %add3A_65 {offsets = [0, 0], sizes = [512, 2046], strides = [1, 1]} : vector<512x2048xi32> to vector<512x2046xi32>
    %concatenate3A_69 = tpu.concatenate %broadcast_in_dim3A_67, %slice3A_68 in 1 : vector<512x2xi32>, vector<512x2046xi32> -> vector<512x2048xi32>
    %add3A_70 = arith.addi %add3A_65, %concatenate3A_69 : vector<512x2048xi32>
    %broadcast_in_dim3A_71 = arith.constant 0 : i32
    %broadcast_in_dim3A_72 = vector.broadcast %broadcast_in_dim3A_71 : i32 to vector<512x4xi32>
    %slice3A_73 = vector.extract_strided_slice %add3A_70 {offsets = [0, 0], sizes = [512, 2044], strides = [1, 1]} : vector<512x2048xi32> to vector<512x2044xi32>
    %concatenate3A_74 = tpu.concatenate %broadcast_in_dim3A_72, %slice3A_73 in 1 : vector<512x4xi32>, vector<512x2044xi32> -> vector<512x2048xi32>
    %add3A_75 = arith.addi %add3A_70, %concatenate3A_74 : vector<512x2048xi32>
    %broadcast_in_dim3A_76 = arith.constant 0 : i32
    %broadcast_in_dim3A_77 = vector.broadcast %broadcast_in_dim3A_76 : i32 to vector<512x8xi32>
    %slice3A_78 = vector.extract_strided_slice %add3A_75 {offsets = [0, 0], sizes = [512, 2040], strides = [1, 1]} : vector<512x2048xi32> to vector<512x2040xi32>
    %concatenate3A_79 = tpu.concatenate %broadcast_in_dim3A_77, %slice3A_78 in 1 : vector<512x8xi32>, vector<512x2040xi32> -> vector<512x2048xi32>
    %add3A_80 = arith.addi %add3A_75, %concatenate3A_79 : vector<512x2048xi32>
    %broadcast_in_dim3A_81 = arith.constant 0 : i32
    %broadcast_in_dim3A_82 = vector.broadcast %broadcast_in_dim3A_81 : i32 to vector<512x16xi32>
    %slice3A_83 = vector.extract_strided_slice %add3A_80 {offsets = [0, 0], sizes = [512, 2032], strides = [1, 1]} : vector<512x2048xi32> to vector<512x2032xi32>
    %concatenate3A_84 = tpu.concatenate %broadcast_in_dim3A_82, %slice3A_83 in 1 : vector<512x16xi32>, vector<512x2032xi32> -> vector<512x2048xi32>
    %add3A_85 = arith.addi %add3A_80, %concatenate3A_84 : vector<512x2048xi32>
    %broadcast_in_dim3A_86 = arith.constant 0 : i32
    %broadcast_in_dim3A_87 = vector.broadcast %broadcast_in_dim3A_86 : i32 to vector<512x32xi32>
    %slice3A_88 = vector.extract_strided_slice %add3A_85 {offsets = [0, 0], sizes = [512, 2016], strides = [1, 1]} : vector<512x2048xi32> to vector<512x2016xi32>
    %concatenate3A_89 = tpu.concatenate %broadcast_in_dim3A_87, %slice3A_88 in 1 : vector<512x32xi32>, vector<512x2016xi32> -> vector<512x2048xi32>
    %add3A_90 = arith.addi %add3A_85, %concatenate3A_89 : vector<512x2048xi32>
    %broadcast_in_dim3A_91 = arith.constant 0 : i32
    %broadcast_in_dim3A_92 = vector.broadcast %broadcast_in_dim3A_91 : i32 to vector<512x64xi32>
    %slice3A_93 = vector.extract_strided_slice %add3A_90 {offsets = [0, 0], sizes = [512, 1984], strides = [1, 1]} : vector<512x2048xi32> to vector<512x1984xi32>
    %concatenate3A_94 = tpu.concatenate %broadcast_in_dim3A_92, %slice3A_93 in 1 : vector<512x64xi32>, vector<512x1984xi32> -> vector<512x2048xi32>
    %add3A_95 = arith.addi %add3A_90, %concatenate3A_94 : vector<512x2048xi32>
    %broadcast_in_dim3A_96 = arith.constant 0 : i32
    %broadcast_in_dim3A_97 = vector.broadcast %broadcast_in_dim3A_96 : i32 to vector<512x128xi32>
    %slice3A_98 = vector.extract_strided_slice %add3A_95 {offsets = [0, 0], sizes = [512, 1920], strides = [1, 1]} : vector<512x2048xi32> to vector<512x1920xi32>
    %concatenate3A_99 = tpu.concatenate %broadcast_in_dim3A_97, %slice3A_98 in 1 : vector<512x128xi32>, vector<512x1920xi32> -> vector<512x2048xi32>
    %add3A_100 = arith.addi %add3A_95, %concatenate3A_99 : vector<512x2048xi32>
    %broadcast_in_dim3A_101 = arith.constant 0 : i32
    %broadcast_in_dim3A_102 = vector.broadcast %broadcast_in_dim3A_101 : i32 to vector<512x256xi32>
    %slice3A_103 = vector.extract_strided_slice %add3A_100 {offsets = [0, 0], sizes = [512, 1792], strides = [1, 1]} : vector<512x2048xi32> to vector<512x1792xi32>
    %concatenate3A_104 = tpu.concatenate %broadcast_in_dim3A_102, %slice3A_103 in 1 : vector<512x256xi32>, vector<512x1792xi32> -> vector<512x2048xi32>
    %add3A_105 = arith.addi %add3A_100, %concatenate3A_104 : vector<512x2048xi32>
    %broadcast_in_dim3A_106 = arith.constant 0 : i32
    %broadcast_in_dim3A_107 = vector.broadcast %broadcast_in_dim3A_106 : i32 to vector<512x512xi32>
    %slice3A_108 = vector.extract_strided_slice %add3A_105 {offsets = [0, 0], sizes = [512, 1536], strides = [1, 1]} : vector<512x2048xi32> to vector<512x1536xi32>
    %concatenate3A_109 = tpu.concatenate %broadcast_in_dim3A_107, %slice3A_108 in 1 : vector<512x512xi32>, vector<512x1536xi32> -> vector<512x2048xi32>
    %add3A_110 = arith.addi %add3A_105, %concatenate3A_109 : vector<512x2048xi32>
    %broadcast_in_dim3A_111 = arith.constant 0 : i32
    %broadcast_in_dim3A_112 = vector.broadcast %broadcast_in_dim3A_111 : i32 to vector<512x1024xi32>
    %slice3A_113 = vector.extract_strided_slice %add3A_110 {offsets = [0, 0], sizes = [512, 1024], strides = [1, 1]} : vector<512x2048xi32> to vector<512x1024xi32>
    %concatenate3A_114 = tpu.concatenate %broadcast_in_dim3A_112, %slice3A_113 in 1 : vector<512x1024xi32>, vector<512x1024xi32> -> vector<512x2048xi32>
    %add3A_115 = arith.addi %add3A_110, %concatenate3A_114 : vector<512x2048xi32>
    %iota3A_116 = tpu.iota {dimensions = array<i32: 1>} : vector<512x16xi32>
    %broadcast_in_dim3A_117 = arith.constant 0 : i32
    %broadcast_in_dim3A_118 = vector.broadcast %broadcast_in_dim3A_117 : i32 to vector<512x16xi32>
    %scan3A = arith.constant 0 : i32
    %scan3A_119 = arith.constant 16 : i32
    %scan3A_120 = arith.addi %scan3A, %scan3A_119 : i32
    %scan3A_121 = arith.constant 1 : i32
    %scan3A_122 = scf.for %scan3A_301 = %scan3A to %scan3A_120 step %scan3A_121 iter_args(%scan3A_302 = %broadcast_in_dim3A_118) -> (vector<512x16xi32>)  : i32 {
      %le3A_303 = vector.broadcast %scan3A_301 : i32 to vector<512x2048xi32>
      %le3A_304 = arith.cmpi sle, %add3A_115, %le3A_303 : vector<512x2048xi32>
      %convert_element_type3A_305 = arith.extui %le3A_304 : vector<512x2048xi1> to vector<512x2048xi32>
      %reduce_sum3A = arith.constant dense<0> : vector<512xi32>
      %reduce_sum3A_306 = vector.multi_reduction <add>, %convert_element_type3A_305, %reduce_sum3A [1] : vector<512x2048xi32> to vector<512xi32>
      %broadcast_in_dim3A_307 = vector.shape_cast %reduce_sum3A_306 : vector<512xi32> to vector<512x1xi32>
      %eq3A_308 = vector.broadcast %scan3A_301 : i32 to vector<512x16xi32>
      %eq3A_309 = arith.cmpi eq, %iota3A_116, %eq3A_308 : vector<512x16xi32>
      %broadcast_in_dim3A_310 = vector.shape_cast %broadcast_in_dim3A_307 : vector<512x1xi32> to vector<512x1xi32>
      %broadcast_in_dim3A_311 = vector.broadcast %broadcast_in_dim3A_310 : vector<512x1xi32> to vector<512x16xi32>
      %select_n3A_312 = arith.select %eq3A_309, %broadcast_in_dim3A_311, %scan3A_302 : vector<512x16xi1>, vector<512x16xi32>
      scf.yield %select_n3A_312 : vector<512x16xi32>
    }
    %scan3A_123 = arith.constant 16 : i32
    %eq3A = arith.constant 2048 : i32
    %eq3A_124 = vector.broadcast %eq3A : i32 to vector<512x16xi32>
    %eq3A_125 = arith.cmpi eq, %scan3A_122, %eq3A_124 : vector<512x16xi32>
    %broadcast_in_dim3A_126 = vector.shape_cast %broadcast_in_dim3A_62 : vector<512x1xi32> to vector<512x1xi32>
    %broadcast_in_dim3A_127 = vector.broadcast %broadcast_in_dim3A_126 : vector<512x1xi32> to vector<512x16xi32>
    %select_n3A_128 = arith.select %eq3A_125, %broadcast_in_dim3A_127, %scan3A_122 : vector<512x16xi1>, vector<512x16xi32>
    %add3A_129 = vector.broadcast %mul3A_58 : i32 to vector<512x16xi32>
    %add3A_130 = arith.addi %select_n3A_128, %add3A_129 : vector<512x16xi32>
    %le3A_131 = arith.constant 1.600000e-01 : f32
    %le3A_132 = vector.broadcast %le3A_131 : f32 to vector<512x2048xf32>
    %le3A_133 = arith.cmpf ole, %max3A_56, %le3A_132 : vector<512x2048xf32>
    %jit3A_134 = arith.constant 2048 : i32
    %broadcast_in_dim3A_135 = vector.broadcast %jit3A_134 : i32 to vector<512x2048xi32>
    %select_n3A_136 = arith.select %le3A_133, %iota3A, %broadcast_in_dim3A_135 : vector<512x2048xi1>, vector<512x2048xi32>
    %reduce_min3A_137 = arith.constant dense<2147483647> : vector<512xi32>
    %reduce_min3A_138 = vector.multi_reduction <minsi>, %select_n3A_136, %reduce_min3A_137 [1] : vector<512x2048xi32> to vector<512xi32>
    %broadcast_in_dim3A_139 = vector.shape_cast %reduce_min3A_138 : vector<512xi32> to vector<512x1xi32>
    %convert_element_type3A_140 = arith.extui %le3A_133 : vector<512x2048xi1> to vector<512x2048xi32>
    %broadcast_in_dim3A_141 = arith.constant 0 : i32
    %broadcast_in_dim3A_142 = vector.broadcast %broadcast_in_dim3A_141 : i32 to vector<512x1xi32>
    %slice3A_143 = vector.extract_strided_slice %convert_element_type3A_140 {offsets = [0, 0], sizes = [512, 2047], strides = [1, 1]} : vector<512x2048xi32> to vector<512x2047xi32>
    %concatenate3A_144 = tpu.concatenate %broadcast_in_dim3A_142, %slice3A_143 in 1 : vector<512x1xi32>, vector<512x2047xi32> -> vector<512x2048xi32>
    %add3A_145 = arith.addi %convert_element_type3A_140, %concatenate3A_144 : vector<512x2048xi32>
    %broadcast_in_dim3A_146 = arith.constant 0 : i32
    %broadcast_in_dim3A_147 = vector.broadcast %broadcast_in_dim3A_146 : i32 to vector<512x2xi32>
    %slice3A_148 = vector.extract_strided_slice %add3A_145 {offsets = [0, 0], sizes = [512, 2046], strides = [1, 1]} : vector<512x2048xi32> to vector<512x2046xi32>
    %concatenate3A_149 = tpu.concatenate %broadcast_in_dim3A_147, %slice3A_148 in 1 : vector<512x2xi32>, vector<512x2046xi32> -> vector<512x2048xi32>
    %add3A_150 = arith.addi %add3A_145, %concatenate3A_149 : vector<512x2048xi32>
    %broadcast_in_dim3A_151 = arith.constant 0 : i32
    %broadcast_in_dim3A_152 = vector.broadcast %broadcast_in_dim3A_151 : i32 to vector<512x4xi32>
    %slice3A_153 = vector.extract_strided_slice %add3A_150 {offsets = [0, 0], sizes = [512, 2044], strides = [1, 1]} : vector<512x2048xi32> to vector<512x2044xi32>
    %concatenate3A_154 = tpu.concatenate %broadcast_in_dim3A_152, %slice3A_153 in 1 : vector<512x4xi32>, vector<512x2044xi32> -> vector<512x2048xi32>
    %add3A_155 = arith.addi %add3A_150, %concatenate3A_154 : vector<512x2048xi32>
    %broadcast_in_dim3A_156 = arith.constant 0 : i32
    %broadcast_in_dim3A_157 = vector.broadcast %broadcast_in_dim3A_156 : i32 to vector<512x8xi32>
    %slice3A_158 = vector.extract_strided_slice %add3A_155 {offsets = [0, 0], sizes = [512, 2040], strides = [1, 1]} : vector<512x2048xi32> to vector<512x2040xi32>
    %concatenate3A_159 = tpu.concatenate %broadcast_in_dim3A_157, %slice3A_158 in 1 : vector<512x8xi32>, vector<512x2040xi32> -> vector<512x2048xi32>
    %add3A_160 = arith.addi %add3A_155, %concatenate3A_159 : vector<512x2048xi32>
    %broadcast_in_dim3A_161 = arith.constant 0 : i32
    %broadcast_in_dim3A_162 = vector.broadcast %broadcast_in_dim3A_161 : i32 to vector<512x16xi32>
    %slice3A_163 = vector.extract_strided_slice %add3A_160 {offsets = [0, 0], sizes = [512, 2032], strides = [1, 1]} : vector<512x2048xi32> to vector<512x2032xi32>
    %concatenate3A_164 = tpu.concatenate %broadcast_in_dim3A_162, %slice3A_163 in 1 : vector<512x16xi32>, vector<512x2032xi32> -> vector<512x2048xi32>
    %add3A_165 = arith.addi %add3A_160, %concatenate3A_164 : vector<512x2048xi32>
    %broadcast_in_dim3A_166 = arith.constant 0 : i32
    %broadcast_in_dim3A_167 = vector.broadcast %broadcast_in_dim3A_166 : i32 to vector<512x32xi32>
    %slice3A_168 = vector.extract_strided_slice %add3A_165 {offsets = [0, 0], sizes = [512, 2016], strides = [1, 1]} : vector<512x2048xi32> to vector<512x2016xi32>
    %concatenate3A_169 = tpu.concatenate %broadcast_in_dim3A_167, %slice3A_168 in 1 : vector<512x32xi32>, vector<512x2016xi32> -> vector<512x2048xi32>
    %add3A_170 = arith.addi %add3A_165, %concatenate3A_169 : vector<512x2048xi32>
    %broadcast_in_dim3A_171 = arith.constant 0 : i32
    %broadcast_in_dim3A_172 = vector.broadcast %broadcast_in_dim3A_171 : i32 to vector<512x64xi32>
    %slice3A_173 = vector.extract_strided_slice %add3A_170 {offsets = [0, 0], sizes = [512, 1984], strides = [1, 1]} : vector<512x2048xi32> to vector<512x1984xi32>
    %concatenate3A_174 = tpu.concatenate %broadcast_in_dim3A_172, %slice3A_173 in 1 : vector<512x64xi32>, vector<512x1984xi32> -> vector<512x2048xi32>
    %add3A_175 = arith.addi %add3A_170, %concatenate3A_174 : vector<512x2048xi32>
    %broadcast_in_dim3A_176 = arith.constant 0 : i32
    %broadcast_in_dim3A_177 = vector.broadcast %broadcast_in_dim3A_176 : i32 to vector<512x128xi32>
    %slice3A_178 = vector.extract_strided_slice %add3A_175 {offsets = [0, 0], sizes = [512, 1920], strides = [1, 1]} : vector<512x2048xi32> to vector<512x1920xi32>
    %concatenate3A_179 = tpu.concatenate %broadcast_in_dim3A_177, %slice3A_178 in 1 : vector<512x128xi32>, vector<512x1920xi32> -> vector<512x2048xi32>
    %add3A_180 = arith.addi %add3A_175, %concatenate3A_179 : vector<512x2048xi32>
    %broadcast_in_dim3A_181 = arith.constant 0 : i32
    %broadcast_in_dim3A_182 = vector.broadcast %broadcast_in_dim3A_181 : i32 to vector<512x256xi32>
    %slice3A_183 = vector.extract_strided_slice %add3A_180 {offsets = [0, 0], sizes = [512, 1792], strides = [1, 1]} : vector<512x2048xi32> to vector<512x1792xi32>
    %concatenate3A_184 = tpu.concatenate %broadcast_in_dim3A_182, %slice3A_183 in 1 : vector<512x256xi32>, vector<512x1792xi32> -> vector<512x2048xi32>
    %add3A_185 = arith.addi %add3A_180, %concatenate3A_184 : vector<512x2048xi32>
    %broadcast_in_dim3A_186 = arith.constant 0 : i32
    %broadcast_in_dim3A_187 = vector.broadcast %broadcast_in_dim3A_186 : i32 to vector<512x512xi32>
    %slice3A_188 = vector.extract_strided_slice %add3A_185 {offsets = [0, 0], sizes = [512, 1536], strides = [1, 1]} : vector<512x2048xi32> to vector<512x1536xi32>
    %concatenate3A_189 = tpu.concatenate %broadcast_in_dim3A_187, %slice3A_188 in 1 : vector<512x512xi32>, vector<512x1536xi32> -> vector<512x2048xi32>
    %add3A_190 = arith.addi %add3A_185, %concatenate3A_189 : vector<512x2048xi32>
    %broadcast_in_dim3A_191 = arith.constant 0 : i32
    %broadcast_in_dim3A_192 = vector.broadcast %broadcast_in_dim3A_191 : i32 to vector<512x1024xi32>
    %slice3A_193 = vector.extract_strided_slice %add3A_190 {offsets = [0, 0], sizes = [512, 1024], strides = [1, 1]} : vector<512x2048xi32> to vector<512x1024xi32>
    %concatenate3A_194 = tpu.concatenate %broadcast_in_dim3A_192, %slice3A_193 in 1 : vector<512x1024xi32>, vector<512x1024xi32> -> vector<512x2048xi32>
    %add3A_195 = arith.addi %add3A_190, %concatenate3A_194 : vector<512x2048xi32>
    %iota3A_196 = tpu.iota {dimensions = array<i32: 1>} : vector<512x32xi32>
    %broadcast_in_dim3A_197 = arith.constant 0 : i32
    %broadcast_in_dim3A_198 = vector.broadcast %broadcast_in_dim3A_197 : i32 to vector<512x32xi32>
    %scan3A_199 = arith.constant 0 : i32
    %scan3A_200 = arith.constant 32 : i32
    %scan3A_201 = arith.addi %scan3A_199, %scan3A_200 : i32
    %scan3A_202 = arith.constant 1 : i32
    %scan3A_203 = scf.for %scan3A_301 = %scan3A_199 to %scan3A_201 step %scan3A_202 iter_args(%scan3A_302 = %broadcast_in_dim3A_198) -> (vector<512x32xi32>)  : i32 {
      %le3A_303 = vector.broadcast %scan3A_301 : i32 to vector<512x2048xi32>
      %le3A_304 = arith.cmpi sle, %add3A_195, %le3A_303 : vector<512x2048xi32>
      %convert_element_type3A_305 = arith.extui %le3A_304 : vector<512x2048xi1> to vector<512x2048xi32>
      %reduce_sum3A = arith.constant dense<0> : vector<512xi32>
      %reduce_sum3A_306 = vector.multi_reduction <add>, %convert_element_type3A_305, %reduce_sum3A [1] : vector<512x2048xi32> to vector<512xi32>
      %broadcast_in_dim3A_307 = vector.shape_cast %reduce_sum3A_306 : vector<512xi32> to vector<512x1xi32>
      %eq3A_308 = vector.broadcast %scan3A_301 : i32 to vector<512x32xi32>
      %eq3A_309 = arith.cmpi eq, %iota3A_196, %eq3A_308 : vector<512x32xi32>
      %broadcast_in_dim3A_310 = vector.shape_cast %broadcast_in_dim3A_307 : vector<512x1xi32> to vector<512x1xi32>
      %broadcast_in_dim3A_311 = vector.broadcast %broadcast_in_dim3A_310 : vector<512x1xi32> to vector<512x32xi32>
      %select_n3A_312 = arith.select %eq3A_309, %broadcast_in_dim3A_311, %scan3A_302 : vector<512x32xi1>, vector<512x32xi32>
      scf.yield %select_n3A_312 : vector<512x32xi32>
    }
    %scan3A_204 = arith.constant 32 : i32
    %eq3A_205 = arith.constant 2048 : i32
    %eq3A_206 = vector.broadcast %eq3A_205 : i32 to vector<512x32xi32>
    %eq3A_207 = arith.cmpi eq, %scan3A_203, %eq3A_206 : vector<512x32xi32>
    %broadcast_in_dim3A_208 = vector.shape_cast %broadcast_in_dim3A_139 : vector<512x1xi32> to vector<512x1xi32>
    %broadcast_in_dim3A_209 = vector.broadcast %broadcast_in_dim3A_208 : vector<512x1xi32> to vector<512x32xi32>
    %select_n3A_210 = arith.select %eq3A_207, %broadcast_in_dim3A_209, %scan3A_203 : vector<512x32xi1>, vector<512x32xi32>
    %add3A_211 = vector.broadcast %mul3A_58 : i32 to vector<512x32xi32>
    %add3A_212 = arith.addi %select_n3A_210, %add3A_211 : vector<512x32xi32>
    %le3A_213 = arith.constant 6.400000e-01 : f32
    %le3A_214 = vector.broadcast %le3A_213 : f32 to vector<512x2048xf32>
    %le3A_215 = arith.cmpf ole, %max3A_56, %le3A_214 : vector<512x2048xf32>
    %jit3A_216 = arith.constant 2048 : i32
    %broadcast_in_dim3A_217 = vector.broadcast %jit3A_216 : i32 to vector<512x2048xi32>
    %select_n3A_218 = arith.select %le3A_215, %iota3A, %broadcast_in_dim3A_217 : vector<512x2048xi1>, vector<512x2048xi32>
    %reduce_min3A_219 = arith.constant dense<2147483647> : vector<512xi32>
    %reduce_min3A_220 = vector.multi_reduction <minsi>, %select_n3A_218, %reduce_min3A_219 [1] : vector<512x2048xi32> to vector<512xi32>
    %broadcast_in_dim3A_221 = vector.shape_cast %reduce_min3A_220 : vector<512xi32> to vector<512x1xi32>
    %convert_element_type3A_222 = arith.extui %le3A_215 : vector<512x2048xi1> to vector<512x2048xi32>
    %broadcast_in_dim3A_223 = arith.constant 0 : i32
    %broadcast_in_dim3A_224 = vector.broadcast %broadcast_in_dim3A_223 : i32 to vector<512x1xi32>
    %slice3A_225 = vector.extract_strided_slice %convert_element_type3A_222 {offsets = [0, 0], sizes = [512, 2047], strides = [1, 1]} : vector<512x2048xi32> to vector<512x2047xi32>
    %concatenate3A_226 = tpu.concatenate %broadcast_in_dim3A_224, %slice3A_225 in 1 : vector<512x1xi32>, vector<512x2047xi32> -> vector<512x2048xi32>
    %add3A_227 = arith.addi %convert_element_type3A_222, %concatenate3A_226 : vector<512x2048xi32>
    %broadcast_in_dim3A_228 = arith.constant 0 : i32
    %broadcast_in_dim3A_229 = vector.broadcast %broadcast_in_dim3A_228 : i32 to vector<512x2xi32>
    %slice3A_230 = vector.extract_strided_slice %add3A_227 {offsets = [0, 0], sizes = [512, 2046], strides = [1, 1]} : vector<512x2048xi32> to vector<512x2046xi32>
    %concatenate3A_231 = tpu.concatenate %broadcast_in_dim3A_229, %slice3A_230 in 1 : vector<512x2xi32>, vector<512x2046xi32> -> vector<512x2048xi32>
    %add3A_232 = arith.addi %add3A_227, %concatenate3A_231 : vector<512x2048xi32>
    %broadcast_in_dim3A_233 = arith.constant 0 : i32
    %broadcast_in_dim3A_234 = vector.broadcast %broadcast_in_dim3A_233 : i32 to vector<512x4xi32>
    %slice3A_235 = vector.extract_strided_slice %add3A_232 {offsets = [0, 0], sizes = [512, 2044], strides = [1, 1]} : vector<512x2048xi32> to vector<512x2044xi32>
    %concatenate3A_236 = tpu.concatenate %broadcast_in_dim3A_234, %slice3A_235 in 1 : vector<512x4xi32>, vector<512x2044xi32> -> vector<512x2048xi32>
    %add3A_237 = arith.addi %add3A_232, %concatenate3A_236 : vector<512x2048xi32>
    %broadcast_in_dim3A_238 = arith.constant 0 : i32
    %broadcast_in_dim3A_239 = vector.broadcast %broadcast_in_dim3A_238 : i32 to vector<512x8xi32>
    %slice3A_240 = vector.extract_strided_slice %add3A_237 {offsets = [0, 0], sizes = [512, 2040], strides = [1, 1]} : vector<512x2048xi32> to vector<512x2040xi32>
    %concatenate3A_241 = tpu.concatenate %broadcast_in_dim3A_239, %slice3A_240 in 1 : vector<512x8xi32>, vector<512x2040xi32> -> vector<512x2048xi32>
    %add3A_242 = arith.addi %add3A_237, %concatenate3A_241 : vector<512x2048xi32>
    %broadcast_in_dim3A_243 = arith.constant 0 : i32
    %broadcast_in_dim3A_244 = vector.broadcast %broadcast_in_dim3A_243 : i32 to vector<512x16xi32>
    %slice3A_245 = vector.extract_strided_slice %add3A_242 {offsets = [0, 0], sizes = [512, 2032], strides = [1, 1]} : vector<512x2048xi32> to vector<512x2032xi32>
    %concatenate3A_246 = tpu.concatenate %broadcast_in_dim3A_244, %slice3A_245 in 1 : vector<512x16xi32>, vector<512x2032xi32> -> vector<512x2048xi32>
    %add3A_247 = arith.addi %add3A_242, %concatenate3A_246 : vector<512x2048xi32>
    %broadcast_in_dim3A_248 = arith.constant 0 : i32
    %broadcast_in_dim3A_249 = vector.broadcast %broadcast_in_dim3A_248 : i32 to vector<512x32xi32>
    %slice3A_250 = vector.extract_strided_slice %add3A_247 {offsets = [0, 0], sizes = [512, 2016], strides = [1, 1]} : vector<512x2048xi32> to vector<512x2016xi32>
    %concatenate3A_251 = tpu.concatenate %broadcast_in_dim3A_249, %slice3A_250 in 1 : vector<512x32xi32>, vector<512x2016xi32> -> vector<512x2048xi32>
    %add3A_252 = arith.addi %add3A_247, %concatenate3A_251 : vector<512x2048xi32>
    %broadcast_in_dim3A_253 = arith.constant 0 : i32
    %broadcast_in_dim3A_254 = vector.broadcast %broadcast_in_dim3A_253 : i32 to vector<512x64xi32>
    %slice3A_255 = vector.extract_strided_slice %add3A_252 {offsets = [0, 0], sizes = [512, 1984], strides = [1, 1]} : vector<512x2048xi32> to vector<512x1984xi32>
    %concatenate3A_256 = tpu.concatenate %broadcast_in_dim3A_254, %slice3A_255 in 1 : vector<512x64xi32>, vector<512x1984xi32> -> vector<512x2048xi32>
    %add3A_257 = arith.addi %add3A_252, %concatenate3A_256 : vector<512x2048xi32>
    %broadcast_in_dim3A_258 = arith.constant 0 : i32
    %broadcast_in_dim3A_259 = vector.broadcast %broadcast_in_dim3A_258 : i32 to vector<512x128xi32>
    %slice3A_260 = vector.extract_strided_slice %add3A_257 {offsets = [0, 0], sizes = [512, 1920], strides = [1, 1]} : vector<512x2048xi32> to vector<512x1920xi32>
    %concatenate3A_261 = tpu.concatenate %broadcast_in_dim3A_259, %slice3A_260 in 1 : vector<512x128xi32>, vector<512x1920xi32> -> vector<512x2048xi32>
    %add3A_262 = arith.addi %add3A_257, %concatenate3A_261 : vector<512x2048xi32>
    %broadcast_in_dim3A_263 = arith.constant 0 : i32
    %broadcast_in_dim3A_264 = vector.broadcast %broadcast_in_dim3A_263 : i32 to vector<512x256xi32>
    %slice3A_265 = vector.extract_strided_slice %add3A_262 {offsets = [0, 0], sizes = [512, 1792], strides = [1, 1]} : vector<512x2048xi32> to vector<512x1792xi32>
    %concatenate3A_266 = tpu.concatenate %broadcast_in_dim3A_264, %slice3A_265 in 1 : vector<512x256xi32>, vector<512x1792xi32> -> vector<512x2048xi32>
    %add3A_267 = arith.addi %add3A_262, %concatenate3A_266 : vector<512x2048xi32>
    %broadcast_in_dim3A_268 = arith.constant 0 : i32
    %broadcast_in_dim3A_269 = vector.broadcast %broadcast_in_dim3A_268 : i32 to vector<512x512xi32>
    %slice3A_270 = vector.extract_strided_slice %add3A_267 {offsets = [0, 0], sizes = [512, 1536], strides = [1, 1]} : vector<512x2048xi32> to vector<512x1536xi32>
    %concatenate3A_271 = tpu.concatenate %broadcast_in_dim3A_269, %slice3A_270 in 1 : vector<512x512xi32>, vector<512x1536xi32> -> vector<512x2048xi32>
    %add3A_272 = arith.addi %add3A_267, %concatenate3A_271 : vector<512x2048xi32>
    %broadcast_in_dim3A_273 = arith.constant 0 : i32
    %broadcast_in_dim3A_274 = vector.broadcast %broadcast_in_dim3A_273 : i32 to vector<512x1024xi32>
    %slice3A_275 = vector.extract_strided_slice %add3A_272 {offsets = [0, 0], sizes = [512, 1024], strides = [1, 1]} : vector<512x2048xi32> to vector<512x1024xi32>
    %concatenate3A_276 = tpu.concatenate %broadcast_in_dim3A_274, %slice3A_275 in 1 : vector<512x1024xi32>, vector<512x1024xi32> -> vector<512x2048xi32>
    %add3A_277 = arith.addi %add3A_272, %concatenate3A_276 : vector<512x2048xi32>
    %iota3A_278 = tpu.iota {dimensions = array<i32: 1>} : vector<512x64xi32>
    %broadcast_in_dim3A_279 = arith.constant 0 : i32
    %broadcast_in_dim3A_280 = vector.broadcast %broadcast_in_dim3A_279 : i32 to vector<512x64xi32>
    %scan3A_281 = arith.constant 0 : i32
    %scan3A_282 = arith.constant 64 : i32
    %scan3A_283 = arith.addi %scan3A_281, %scan3A_282 : i32
    %scan3A_284 = arith.constant 1 : i32
    %scan3A_285 = scf.for %scan3A_301 = %scan3A_281 to %scan3A_283 step %scan3A_284 iter_args(%scan3A_302 = %broadcast_in_dim3A_280) -> (vector<512x64xi32>)  : i32 {
      %le3A_303 = vector.broadcast %scan3A_301 : i32 to vector<512x2048xi32>
      %le3A_304 = arith.cmpi sle, %add3A_277, %le3A_303 : vector<512x2048xi32>
      %convert_element_type3A_305 = arith.extui %le3A_304 : vector<512x2048xi1> to vector<512x2048xi32>
      %reduce_sum3A = arith.constant dense<0> : vector<512xi32>
      %reduce_sum3A_306 = vector.multi_reduction <add>, %convert_element_type3A_305, %reduce_sum3A [1] : vector<512x2048xi32> to vector<512xi32>
      %broadcast_in_dim3A_307 = vector.shape_cast %reduce_sum3A_306 : vector<512xi32> to vector<512x1xi32>
      %eq3A_308 = vector.broadcast %scan3A_301 : i32 to vector<512x64xi32>
      %eq3A_309 = arith.cmpi eq, %iota3A_278, %eq3A_308 : vector<512x64xi32>
      %broadcast_in_dim3A_310 = vector.shape_cast %broadcast_in_dim3A_307 : vector<512x1xi32> to vector<512x1xi32>
      %broadcast_in_dim3A_311 = vector.broadcast %broadcast_in_dim3A_310 : vector<512x1xi32> to vector<512x64xi32>
      %select_n3A_312 = arith.select %eq3A_309, %broadcast_in_dim3A_311, %scan3A_302 : vector<512x64xi1>, vector<512x64xi32>
      scf.yield %select_n3A_312 : vector<512x64xi32>
    }
    %scan3A_286 = arith.constant 64 : i32
    %eq3A_287 = arith.constant 2048 : i32
    %eq3A_288 = vector.broadcast %eq3A_287 : i32 to vector<512x64xi32>
    %eq3A_289 = arith.cmpi eq, %scan3A_285, %eq3A_288 : vector<512x64xi32>
    %broadcast_in_dim3A_290 = vector.shape_cast %broadcast_in_dim3A_221 : vector<512x1xi32> to vector<512x1xi32>
    %broadcast_in_dim3A_291 = vector.broadcast %broadcast_in_dim3A_290 : vector<512x1xi32> to vector<512x64xi32>
    %select_n3A_292 = arith.select %eq3A_289, %broadcast_in_dim3A_291, %scan3A_285 : vector<512x64xi1>, vector<512x64xi32>
    %add3A_293 = vector.broadcast %mul3A_58 : i32 to vector<512x64xi32>
    %add3A_294 = arith.addi %select_n3A_292, %add3A_293 : vector<512x64xi32>
    %concatenate3A_295 = tpu.concatenate %add3A_130, %add3A_212, %add3A_294 in 1 : vector<512x16xi32>, vector<512x32xi32>, vector<512x64xi32> -> vector<512x112xi32>
    %swap3A = arith.constant 0 : index
    %swap3A_296 = arith.constant 0 : index
    %swap3A_297 = arith.constant 0 : index
    %swap3A_298 = vector.load %arg4[%swap3A, %swap3A_296, %swap3A_297] : memref<1x512x112xi32, #tpu.memory_space<vmem>>, vector<1x512x112xi32>
    %swap3A_299 = vector.shape_cast %swap3A_298 : vector<1x512x112xi32> to vector<512x112xi32>
    %swap3A_300 = vector.shape_cast %concatenate3A_295 : vector<512x112xi32> to vector<1x512x112xi32>
    tpu.vector_store %arg4[%swap3A, %swap3A_296, %swap3A_297], %swap3A_300 {strides = array<i32>} : memref<1x512x112xi32, #tpu.memory_space<vmem>>, vector<1x512x112xi32>,
    return
  }
  func.func @transform_0(%arg0: i32, %arg1: i32) -> (i32, i32, i32) {
    %c0_i32 = arith.constant 0 : i32
    %c0_i32_0 = arith.constant 0 : i32
    %c0_i32_1 = arith.constant 0 : i32
    return %arg0, %c0_i32, %c0_i32_0 : i32, i32, i32
  }
  func.func @transform_1(%arg0: i32, %arg1: i32) -> (i32, i32, i32) {
    %c0_i32 = arith.constant 0 : i32
    %c0_i32_0 = arith.constant 0 : i32
    return %arg0, %arg1, %c0_i32 : i32, i32, i32
  }
  func.func @transform_2(%arg0: i32, %arg1: i32) -> (i32, i32, i32) {
    %c0_i32 = arith.constant 0 : i32
    %c0_i32_0 = arith.constant 0 : i32
    return %arg0, %arg1, %c0_i32 : i32, i32, i32
  }
}

module attributes {stable_mosaic.version = 14 : i64} {
  func.func @_l1_body(%arg0: i32, %arg1: memref<4096x128xf32, #tpu.memory_space<vmem>>, %arg2: memref<1x256x3xf32, #tpu.memory_space<vmem>>, %arg3: memref<128x32xf32, #tpu.memory_space<vmem>>, %arg4: memref<3x32xf32, #tpu.memory_space<vmem>>, %arg5: memref<4096x32xf32, #tpu.memory_space<vmem>>, %arg6: memref<1x32xf32, #tpu.memory_space<vmem>>, %arg7: memref<1x32xf32, #tpu.memory_space<vmem>>) attributes {dimension_semantics = [#tpu.dimension_semantics<arbitrary>], iteration_bounds = array<i64: 16>, scalar_prefetch = 0 : i64, scratch_operands = 0 : i64, tpu.core_type = #tpu.core_type<tc>, window_params = [{transform_indices = @transform_0, window_bounds = array<i64: 4096, 128>}, {transform_indices = @transform_1, window_bounds = array<i64: 1, 256, 3>}, {pipeline_mode = #tpu.pipeline_mode<synchronous>, transform_indices = @transform_2, window_bounds = array<i64: 128, 32>}, {pipeline_mode = #tpu.pipeline_mode<synchronous>, transform_indices = @transform_3, window_bounds = array<i64: 3, 32>}, {transform_indices = @transform_4, window_bounds = array<i64: 4096, 32>}, {pipeline_mode = #tpu.pipeline_mode<synchronous>, transform_indices = @transform_5, window_bounds = array<i64: 1, 32>}, {pipeline_mode = #tpu.pipeline_mode<synchronous>, transform_indices = @transform_6, window_bounds = array<i64: 1, 32>}]} {
    %get3A = arith.constant 0 : index
    %get3A_0 = arith.constant 0 : index
    %get3A_1 = vector.load %arg1[%get3A, %get3A_0] : memref<4096x128xf32, #tpu.memory_space<vmem>>, vector<4096x128xf32>
    %get3A_2 = arith.constant 0 : index
    %get3A_3 = arith.constant 0 : index
    %get3A_4 = vector.load %arg3[%get3A_2, %get3A_3] : memref<128x32xf32, #tpu.memory_space<vmem>>, vector<128x32xf32>
    %dot_general3A = arith.constant dense<0.000000e+00> : vector<4096x32xf32>
    %dot_general3A_5 = tpu.matmul %get3A_1, %get3A_4, %dot_general3A {dimension_numbers = #tpu.dot_dimension_numbers<[1], [0], [0], [1], [0, 0, 1, 1], [], []>, transpose_lhs_hint = false} : vector<4096x128xf32>, vector<128x32xf32>, vector<4096x32xf32> -> vector<4096x32xf32>
    %get3A_6 = arith.constant 0 : index
    %get3A_7 = arith.constant 0 : index
    %get3A_8 = arith.constant 0 : index
    %get3A_9 = vector.load %arg2[%get3A_6, %get3A_7, %get3A_8] : memref<1x256x3xf32, #tpu.memory_space<vmem>>, vector<1x256x3xf32>
    %get3A_10 = vector.shape_cast %get3A_9 : vector<1x256x3xf32> to vector<256x3xf32>
    %get3A_11 = arith.constant 0 : index
    %get3A_12 = arith.constant 0 : index
    %get3A_13 = vector.load %arg4[%get3A_11, %get3A_12] : memref<3x32xf32, #tpu.memory_space<vmem>>, vector<3x32xf32>
    %dot_general3A_14 = arith.constant dense<0.000000e+00> : vector<256x32xf32>
    %dot_general3A_15 = tpu.matmul %get3A_10, %get3A_13, %dot_general3A_14 {dimension_numbers = #tpu.dot_dimension_numbers<[1], [0], [0], [1], [0, 0, 1, 1], [], []>, transpose_lhs_hint = false} : vector<256x3xf32>, vector<3x32xf32>, vector<256x32xf32> -> vector<256x32xf32>
    %broadcast_in_dim3A = vector.shape_cast %dot_general3A_15 : vector<256x32xf32> to vector<256x1x32xf32>
    %broadcast_in_dim3A_16 = vector.shape_cast %broadcast_in_dim3A : vector<256x1x32xf32> to vector<256x1x32xf32>
    %broadcast_in_dim3A_17 = vector.broadcast %broadcast_in_dim3A_16 : vector<256x1x32xf32> to vector<256x16x32xf32>
    %reshape3A = vector.shape_cast %broadcast_in_dim3A_17 : vector<256x16x32xf32> to vector<4096x32xf32>
    %sub3A = arith.subf %dot_general3A_5, %reshape3A : vector<4096x32xf32>
    %swap3A = arith.constant 0 : index
    %swap3A_18 = arith.constant 0 : index
    %swap3A_19 = vector.load %arg5[%swap3A, %swap3A_18] : memref<4096x32xf32, #tpu.memory_space<vmem>>, vector<4096x32xf32>
    tpu.vector_store %arg5[%swap3A, %swap3A_18], %sub3A {strides = array<i32>} : memref<4096x32xf32, #tpu.memory_space<vmem>>, vector<4096x32xf32>,
    %eq3A = arith.constant 0 : i32
    %eq3A_20 = arith.cmpi eq, %arg0, %eq3A : i32
    %convert_element_type3A = arith.extui %eq3A_20 : i1 to i32
    %cond3A = arith.constant 0 : i32
    %cond3A_21 = arith.cmpi ne, %convert_element_type3A, %cond3A : i32
    scf.if %cond3A_21 {
      %broadcast_in_dim3A_40 = arith.constant 0.000000e+00 : f32
      %broadcast_in_dim3A_41 = vector.broadcast %broadcast_in_dim3A_40 : f32 to vector<1x32xf32>
      %swap3A_42 = arith.constant 0 : index
      %swap3A_43 = arith.constant 0 : index
      %swap3A_44 = vector.load %arg6[%swap3A_42, %swap3A_43] : memref<1x32xf32, #tpu.memory_space<vmem>>, vector<1x32xf32>
      tpu.vector_store %arg6[%swap3A_42, %swap3A_43], %broadcast_in_dim3A_41 {strides = array<i32>} : memref<1x32xf32, #tpu.memory_space<vmem>>, vector<1x32xf32>,
      %broadcast_in_dim3A_45 = arith.constant 0.000000e+00 : f32
      %broadcast_in_dim3A_46 = vector.broadcast %broadcast_in_dim3A_45 : f32 to vector<1x32xf32>
      %swap3A_47 = arith.constant 0 : index
      %swap3A_48 = arith.constant 0 : index
      %swap3A_49 = vector.load %arg7[%swap3A_47, %swap3A_48] : memref<1x32xf32, #tpu.memory_space<vmem>>, vector<1x32xf32>
      tpu.vector_store %arg7[%swap3A_47, %swap3A_48], %broadcast_in_dim3A_46 {strides = array<i32>} : memref<1x32xf32, #tpu.memory_space<vmem>>, vector<1x32xf32>,
    } else {
    }
    %get3A_22 = arith.constant 0 : index
    %get3A_23 = arith.constant 0 : index
    %get3A_24 = vector.load %arg6[%get3A_22, %get3A_23] : memref<1x32xf32, #tpu.memory_space<vmem>>, vector<1x32xf32>
    %reduce_sum3A = arith.constant dense<0.000000e+00> : vector<32xf32>
    %reduce_sum3A_25 = vector.multi_reduction <add>, %sub3A, %reduce_sum3A [0] : vector<4096x32xf32> to vector<32xf32>
    %broadcast_in_dim3A_26 = vector.shape_cast %reduce_sum3A_25 : vector<32xf32> to vector<1x32xf32>
    %add3A = arith.addf %get3A_24, %broadcast_in_dim3A_26 : vector<1x32xf32>
    %swap3A_27 = arith.constant 0 : index
    %swap3A_28 = arith.constant 0 : index
    %swap3A_29 = vector.load %arg6[%swap3A_27, %swap3A_28] : memref<1x32xf32, #tpu.memory_space<vmem>>, vector<1x32xf32>
    tpu.vector_store %arg6[%swap3A_27, %swap3A_28], %add3A {strides = array<i32>} : memref<1x32xf32, #tpu.memory_space<vmem>>, vector<1x32xf32>,
    %get3A_30 = arith.constant 0 : index
    %get3A_31 = arith.constant 0 : index
    %get3A_32 = vector.load %arg7[%get3A_30, %get3A_31] : memref<1x32xf32, #tpu.memory_space<vmem>>, vector<1x32xf32>
    %mul3A = arith.mulf %sub3A, %sub3A : vector<4096x32xf32>
    %reduce_sum3A_33 = arith.constant dense<0.000000e+00> : vector<32xf32>
    %reduce_sum3A_34 = vector.multi_reduction <add>, %mul3A, %reduce_sum3A_33 [0] : vector<4096x32xf32> to vector<32xf32>
    %broadcast_in_dim3A_35 = vector.shape_cast %reduce_sum3A_34 : vector<32xf32> to vector<1x32xf32>
    %add3A_36 = arith.addf %get3A_32, %broadcast_in_dim3A_35 : vector<1x32xf32>
    %swap3A_37 = arith.constant 0 : index
    %swap3A_38 = arith.constant 0 : index
    %swap3A_39 = vector.load %arg7[%swap3A_37, %swap3A_38] : memref<1x32xf32, #tpu.memory_space<vmem>>, vector<1x32xf32>
    tpu.vector_store %arg7[%swap3A_37, %swap3A_38], %add3A_36 {strides = array<i32>} : memref<1x32xf32, #tpu.memory_space<vmem>>, vector<1x32xf32>,
    return
  }
  func.func @transform_0(%arg0: i32) -> (i32, i32) {
    %c0_i32 = arith.constant 0 : i32
    %c0_i32_0 = arith.constant 0 : i32
    return %arg0, %c0_i32 : i32, i32
  }
  func.func @transform_1(%arg0: i32) -> (i32, i32, i32) {
    %jit3A = arith.constant 2 : i32
    %div3A = arith.divsi %arg0, %jit3A : i32
    %sign3A = arith.constant 0 : i32
    %sign3A_0 = arith.cmpi sgt, %arg0, %sign3A : i32
    %sign3A_1 = arith.extui %sign3A_0 : i1 to i32
    %sign3A_2 = arith.constant 0 : i32
    %sign3A_3 = arith.cmpi slt, %arg0, %sign3A_2 : i32
    %sign3A_4 = arith.extui %sign3A_3 : i1 to i32
    %sign3A_5 = arith.subi %sign3A_1, %sign3A_4 : i32
    %sign3A_6 = arith.constant 0 : i32
    %sign3A_7 = arith.cmpi sgt, %jit3A, %sign3A_6 : i32
    %sign3A_8 = arith.extui %sign3A_7 : i1 to i32
    %sign3A_9 = arith.constant 0 : i32
    %sign3A_10 = arith.cmpi slt, %jit3A, %sign3A_9 : i32
    %sign3A_11 = arith.extui %sign3A_10 : i1 to i32
    %sign3A_12 = arith.subi %sign3A_8, %sign3A_11 : i32
    %ne3A = arith.cmpi ne, %sign3A_5, %sign3A_12 : i32
    %rem3A = arith.remsi %arg0, %jit3A : i32
    %ne3A_13 = arith.constant 0 : i32
    %ne3A_14 = arith.cmpi ne, %rem3A, %ne3A_13 : i32
    %and3A = arith.andi %ne3A, %ne3A_14 : i1
    %sub3A = arith.constant 1 : i32
    %sub3A_15 = arith.subi %div3A, %sub3A : i32
    %select_n3A = arith.select %and3A, %sub3A_15, %div3A : i32
    %jit3A_16 = arith.constant 2 : i32
    %eq3A = arith.constant 0 : i32
    %eq3A_17 = arith.cmpi eq, %jit3A_16, %eq3A : i32
    %jit3A_18 = arith.constant 1 : i32
    %select_n3A_19 = arith.select %eq3A_17, %jit3A_18, %jit3A_16 : i32
    %rem3A_20 = arith.remsi %arg0, %select_n3A_19 : i32
    %ne3A_21 = arith.constant 0 : i32
    %ne3A_22 = arith.cmpi ne, %rem3A_20, %ne3A_21 : i32
    %lt3A = arith.constant 0 : i32
    %lt3A_23 = arith.cmpi slt, %rem3A_20, %lt3A : i32
    %lt3A_24 = arith.constant 0 : i32
    %lt3A_25 = arith.cmpi slt, %select_n3A_19, %lt3A_24 : i32
    %ne3A_26 = arith.xori %lt3A_23, %lt3A_25 : i1
    %and3A_27 = arith.andi %ne3A_26, %ne3A_22 : i1
    %add3A = arith.addi %rem3A_20, %select_n3A_19 : i32
    %select_n3A_28 = arith.select %and3A_27, %add3A, %rem3A_20 : i32
    %c0_i32 = arith.constant 0 : i32
    %c0_i32_29 = arith.constant 0 : i32
    return %select_n3A, %select_n3A_28, %c0_i32 : i32, i32, i32
  }
  func.func @transform_2(%arg0: i32) -> (i32, i32) {
    %c0_i32 = arith.constant 0 : i32
    %c0_i32_0 = arith.constant 0 : i32
    %c0_i32_1 = arith.constant 0 : i32
    return %c0_i32, %c0_i32_0 : i32, i32
  }
  func.func @transform_3(%arg0: i32) -> (i32, i32) {
    %c0_i32 = arith.constant 0 : i32
    %c0_i32_0 = arith.constant 0 : i32
    %c0_i32_1 = arith.constant 0 : i32
    return %c0_i32, %c0_i32_0 : i32, i32
  }
  func.func @transform_4(%arg0: i32) -> (i32, i32) {
    %c0_i32 = arith.constant 0 : i32
    %c0_i32_0 = arith.constant 0 : i32
    return %arg0, %c0_i32 : i32, i32
  }
  func.func @transform_5(%arg0: i32) -> (i32, i32) {
    %c0_i32 = arith.constant 0 : i32
    %c0_i32_0 = arith.constant 0 : i32
    %c0_i32_1 = arith.constant 0 : i32
    return %c0_i32, %c0_i32_0 : i32, i32
  }
  func.func @transform_6(%arg0: i32) -> (i32, i32) {
    %c0_i32 = arith.constant 0 : i32
    %c0_i32_0 = arith.constant 0 : i32
    %c0_i32_1 = arith.constant 0 : i32
    return %c0_i32, %c0_i32_0 : i32, i32
  }
}

module attributes {stable_mosaic.version = 14 : i64} {
  func.func @_mid_body(%arg0: i32, %arg1: memref<4096x32xf32, #tpu.memory_space<vmem>>, %arg2: memref<1x32xf32, #tpu.memory_space<vmem>>, %arg3: memref<1x32xf32, #tpu.memory_space<vmem>>, %arg4: memref<1x32xf32, #tpu.memory_space<vmem>>, %arg5: memref<1x32xf32, #tpu.memory_space<vmem>>, %arg6: memref<32x32xf32, #tpu.memory_space<vmem>>, %arg7: memref<4096x32xf32, #tpu.memory_space<vmem>>, %arg8: memref<1x32xf32, #tpu.memory_space<vmem>>, %arg9: memref<1x32xf32, #tpu.memory_space<vmem>>) attributes {dimension_semantics = [#tpu.dimension_semantics<arbitrary>], iteration_bounds = array<i64: 16>, scalar_prefetch = 0 : i64, scratch_operands = 0 : i64, tpu.core_type = #tpu.core_type<tc>, window_params = [{transform_indices = @transform_0, window_bounds = array<i64: 4096, 32>}, {pipeline_mode = #tpu.pipeline_mode<synchronous>, transform_indices = @transform_1, window_bounds = array<i64: 1, 32>}, {pipeline_mode = #tpu.pipeline_mode<synchronous>, transform_indices = @transform_2, window_bounds = array<i64: 1, 32>}, {pipeline_mode = #tpu.pipeline_mode<synchronous>, transform_indices = @transform_3, window_bounds = array<i64: 1, 32>}, {pipeline_mode = #tpu.pipeline_mode<synchronous>, transform_indices = @transform_4, window_bounds = array<i64: 1, 32>}, {pipeline_mode = #tpu.pipeline_mode<synchronous>, transform_indices = @transform_5, window_bounds = array<i64: 32, 32>}, {transform_indices = @transform_6, window_bounds = array<i64: 4096, 32>}, {pipeline_mode = #tpu.pipeline_mode<synchronous>, transform_indices = @transform_7, window_bounds = array<i64: 1, 32>}, {pipeline_mode = #tpu.pipeline_mode<synchronous>, transform_indices = @transform_8, window_bounds = array<i64: 1, 32>}]} {
    %get3A = arith.constant 0 : index
    %get3A_0 = arith.constant 0 : index
    %get3A_1 = vector.load %arg2[%get3A, %get3A_0] : memref<1x32xf32, #tpu.memory_space<vmem>>, vector<1x32xf32>
    %div3A = arith.constant 6.553600e+04 : f32
    %div3A_2 = vector.broadcast %div3A : f32 to vector<1x32xf32>
    %div3A_3 = arith.divf %get3A_1, %div3A_2 : vector<1x32xf32>
    %get3A_4 = arith.constant 0 : index
    %get3A_5 = arith.constant 0 : index
    %get3A_6 = vector.load %arg3[%get3A_4, %get3A_5] : memref<1x32xf32, #tpu.memory_space<vmem>>, vector<1x32xf32>
    %div3A_7 = arith.constant 6.553600e+04 : f32
    %div3A_8 = vector.broadcast %div3A_7 : f32 to vector<1x32xf32>
    %div3A_9 = arith.divf %get3A_6, %div3A_8 : vector<1x32xf32>
    %mul3A = arith.mulf %div3A_3, %div3A_3 : vector<1x32xf32>
    %sub3A = arith.subf %div3A_9, %mul3A : vector<1x32xf32>
    %get3A_10 = arith.constant 0 : index
    %get3A_11 = arith.constant 0 : index
    %get3A_12 = vector.load %arg1[%get3A_10, %get3A_11] : memref<4096x32xf32, #tpu.memory_space<vmem>>, vector<4096x32xf32>
    %sub3A_13 = vector.broadcast %div3A_3 : vector<1x32xf32> to vector<4096x32xf32>
    %sub3A_14 = arith.subf %get3A_12, %sub3A_13 : vector<4096x32xf32>
    %add3A = arith.constant 9.99999974E-6 : f32
    %add3A_15 = vector.broadcast %add3A : f32 to vector<1x32xf32>
    %add3A_16 = arith.addf %sub3A, %add3A_15 : vector<1x32xf32>
    %sqrt3A = math.sqrt %add3A_16 : vector<1x32xf32>
    %div3A_17 = vector.broadcast %sqrt3A : vector<1x32xf32> to vector<4096x32xf32>
    %div3A_18 = arith.divf %sub3A_14, %div3A_17 : vector<4096x32xf32>
    %get3A_19 = arith.constant 0 : index
    %get3A_20 = arith.constant 0 : index
    %get3A_21 = vector.load %arg4[%get3A_19, %get3A_20] : memref<1x32xf32, #tpu.memory_space<vmem>>, vector<1x32xf32>
    %mul3A_22 = vector.broadcast %get3A_21 : vector<1x32xf32> to vector<4096x32xf32>
    %mul3A_23 = arith.mulf %div3A_18, %mul3A_22 : vector<4096x32xf32>
    %get3A_24 = arith.constant 0 : index
    %get3A_25 = arith.constant 0 : index
    %get3A_26 = vector.load %arg5[%get3A_24, %get3A_25] : memref<1x32xf32, #tpu.memory_space<vmem>>, vector<1x32xf32>
    %add3A_27 = vector.broadcast %get3A_26 : vector<1x32xf32> to vector<4096x32xf32>
    %add3A_28 = arith.addf %mul3A_23, %add3A_27 : vector<4096x32xf32>
    %max3A = arith.constant 0.000000e+00 : f32
    %max3A_29 = vector.broadcast %max3A : f32 to vector<4096x32xf32>
    %max3A_30 = arith.maximumf %add3A_28, %max3A_29 : vector<4096x32xf32>
    %get3A_31 = arith.constant 0 : index
    %get3A_32 = arith.constant 0 : index
    %get3A_33 = vector.load %arg6[%get3A_31, %get3A_32] : memref<32x32xf32, #tpu.memory_space<vmem>>, vector<32x32xf32>
    %dot_general3A = arith.constant dense<0.000000e+00> : vector<4096x32xf32>
    %dot_general3A_34 = tpu.matmul %max3A_30, %get3A_33, %dot_general3A {dimension_numbers = #tpu.dot_dimension_numbers<[1], [0], [0], [1], [0, 0, 1, 1], [], []>, transpose_lhs_hint = false} : vector<4096x32xf32>, vector<32x32xf32>, vector<4096x32xf32> -> vector<4096x32xf32>
    %swap3A = arith.constant 0 : index
    %swap3A_35 = arith.constant 0 : index
    %swap3A_36 = vector.load %arg7[%swap3A, %swap3A_35] : memref<4096x32xf32, #tpu.memory_space<vmem>>, vector<4096x32xf32>
    tpu.vector_store %arg7[%swap3A, %swap3A_35], %dot_general3A_34 {strides = array<i32>} : memref<4096x32xf32, #tpu.memory_space<vmem>>, vector<4096x32xf32>,
    %eq3A = arith.constant 0 : i32
    %eq3A_37 = arith.cmpi eq, %arg0, %eq3A : i32
    %convert_element_type3A = arith.extui %eq3A_37 : i1 to i32
    %cond3A = arith.constant 0 : i32
    %cond3A_38 = arith.cmpi ne, %convert_element_type3A, %cond3A : i32
    scf.if %cond3A_38 {
      %broadcast_in_dim3A_58 = arith.constant 0.000000e+00 : f32
      %broadcast_in_dim3A_59 = vector.broadcast %broadcast_in_dim3A_58 : f32 to vector<1x32xf32>
      %swap3A_60 = arith.constant 0 : index
      %swap3A_61 = arith.constant 0 : index
      %swap3A_62 = vector.load %arg8[%swap3A_60, %swap3A_61] : memref<1x32xf32, #tpu.memory_space<vmem>>, vector<1x32xf32>
      tpu.vector_store %arg8[%swap3A_60, %swap3A_61], %broadcast_in_dim3A_59 {strides = array<i32>} : memref<1x32xf32, #tpu.memory_space<vmem>>, vector<1x32xf32>,
      %broadcast_in_dim3A_63 = arith.constant 0.000000e+00 : f32
      %broadcast_in_dim3A_64 = vector.broadcast %broadcast_in_dim3A_63 : f32 to vector<1x32xf32>
      %swap3A_65 = arith.constant 0 : index
      %swap3A_66 = arith.constant 0 : index
      %swap3A_67 = vector.load %arg9[%swap3A_65, %swap3A_66] : memref<1x32xf32, #tpu.memory_space<vmem>>, vector<1x32xf32>
      tpu.vector_store %arg9[%swap3A_65, %swap3A_66], %broadcast_in_dim3A_64 {strides = array<i32>} : memref<1x32xf32, #tpu.memory_space<vmem>>, vector<1x32xf32>,
    } else {
    }
    %get3A_39 = arith.constant 0 : index
    %get3A_40 = arith.constant 0 : index
    %get3A_41 = vector.load %arg8[%get3A_39, %get3A_40] : memref<1x32xf32, #tpu.memory_space<vmem>>, vector<1x32xf32>
    %reduce_sum3A = arith.constant dense<0.000000e+00> : vector<32xf32>
    %reduce_sum3A_42 = vector.multi_reduction <add>, %dot_general3A_34, %reduce_sum3A [0] : vector<4096x32xf32> to vector<32xf32>
    %broadcast_in_dim3A = vector.shape_cast %reduce_sum3A_42 : vector<32xf32> to vector<1x32xf32>
    %add3A_43 = arith.addf %get3A_41, %broadcast_in_dim3A : vector<1x32xf32>
    %swap3A_44 = arith.constant 0 : index
    %swap3A_45 = arith.constant 0 : index
    %swap3A_46 = vector.load %arg8[%swap3A_44, %swap3A_45] : memref<1x32xf32, #tpu.memory_space<vmem>>, vector<1x32xf32>
    tpu.vector_store %arg8[%swap3A_44, %swap3A_45], %add3A_43 {strides = array<i32>} : memref<1x32xf32, #tpu.memory_space<vmem>>, vector<1x32xf32>,
    %get3A_47 = arith.constant 0 : index
    %get3A_48 = arith.constant 0 : index
    %get3A_49 = vector.load %arg9[%get3A_47, %get3A_48] : memref<1x32xf32, #tpu.memory_space<vmem>>, vector<1x32xf32>
    %mul3A_50 = arith.mulf %dot_general3A_34, %dot_general3A_34 : vector<4096x32xf32>
    %reduce_sum3A_51 = arith.constant dense<0.000000e+00> : vector<32xf32>
    %reduce_sum3A_52 = vector.multi_reduction <add>, %mul3A_50, %reduce_sum3A_51 [0] : vector<4096x32xf32> to vector<32xf32>
    %broadcast_in_dim3A_53 = vector.shape_cast %reduce_sum3A_52 : vector<32xf32> to vector<1x32xf32>
    %add3A_54 = arith.addf %get3A_49, %broadcast_in_dim3A_53 : vector<1x32xf32>
    %swap3A_55 = arith.constant 0 : index
    %swap3A_56 = arith.constant 0 : index
    %swap3A_57 = vector.load %arg9[%swap3A_55, %swap3A_56] : memref<1x32xf32, #tpu.memory_space<vmem>>, vector<1x32xf32>
    tpu.vector_store %arg9[%swap3A_55, %swap3A_56], %add3A_54 {strides = array<i32>} : memref<1x32xf32, #tpu.memory_space<vmem>>, vector<1x32xf32>,
    return
  }
  func.func @transform_0(%arg0: i32) -> (i32, i32) {
    %c0_i32 = arith.constant 0 : i32
    %c0_i32_0 = arith.constant 0 : i32
    return %arg0, %c0_i32 : i32, i32
  }
  func.func @transform_1(%arg0: i32) -> (i32, i32) {
    %c0_i32 = arith.constant 0 : i32
    %c0_i32_0 = arith.constant 0 : i32
    %c0_i32_1 = arith.constant 0 : i32
    return %c0_i32, %c0_i32_0 : i32, i32
  }
  func.func @transform_2(%arg0: i32) -> (i32, i32) {
    %c0_i32 = arith.constant 0 : i32
    %c0_i32_0 = arith.constant 0 : i32
    %c0_i32_1 = arith.constant 0 : i32
    return %c0_i32, %c0_i32_0 : i32, i32
  }
  func.func @transform_3(%arg0: i32) -> (i32, i32) {
    %c0_i32 = arith.constant 0 : i32
    %c0_i32_0 = arith.constant 0 : i32
    %c0_i32_1 = arith.constant 0 : i32
    return %c0_i32, %c0_i32_0 : i32, i32
  }
  func.func @transform_4(%arg0: i32) -> (i32, i32) {
    %c0_i32 = arith.constant 0 : i32
    %c0_i32_0 = arith.constant 0 : i32
    %c0_i32_1 = arith.constant 0 : i32
    return %c0_i32, %c0_i32_0 : i32, i32
  }
  func.func @transform_5(%arg0: i32) -> (i32, i32) {
    %c0_i32 = arith.constant 0 : i32
    %c0_i32_0 = arith.constant 0 : i32
    %c0_i32_1 = arith.constant 0 : i32
    return %c0_i32, %c0_i32_0 : i32, i32
  }
  func.func @transform_6(%arg0: i32) -> (i32, i32) {
    %c0_i32 = arith.constant 0 : i32
    %c0_i32_0 = arith.constant 0 : i32
    return %arg0, %c0_i32 : i32, i32
  }
  func.func @transform_7(%arg0: i32) -> (i32, i32) {
    %c0_i32 = arith.constant 0 : i32
    %c0_i32_0 = arith.constant 0 : i32
    %c0_i32_1 = arith.constant 0 : i32
    return %c0_i32, %c0_i32_0 : i32, i32
  }
  func.func @transform_8(%arg0: i32) -> (i32, i32) {
    %c0_i32 = arith.constant 0 : i32
    %c0_i32_0 = arith.constant 0 : i32
    %c0_i32_1 = arith.constant 0 : i32
    return %c0_i32, %c0_i32_0 : i32, i32
  }
}

module attributes {stable_mosaic.version = 14 : i64} {
  func.func @_mid_body(%arg0: i32, %arg1: memref<4096x32xf32, #tpu.memory_space<vmem>>, %arg2: memref<1x32xf32, #tpu.memory_space<vmem>>, %arg3: memref<1x32xf32, #tpu.memory_space<vmem>>, %arg4: memref<1x32xf32, #tpu.memory_space<vmem>>, %arg5: memref<1x32xf32, #tpu.memory_space<vmem>>, %arg6: memref<32x64xf32, #tpu.memory_space<vmem>>, %arg7: memref<4096x64xf32, #tpu.memory_space<vmem>>, %arg8: memref<1x64xf32, #tpu.memory_space<vmem>>, %arg9: memref<1x64xf32, #tpu.memory_space<vmem>>) attributes {dimension_semantics = [#tpu.dimension_semantics<arbitrary>], iteration_bounds = array<i64: 16>, scalar_prefetch = 0 : i64, scratch_operands = 0 : i64, tpu.core_type = #tpu.core_type<tc>, window_params = [{transform_indices = @transform_0, window_bounds = array<i64: 4096, 32>}, {pipeline_mode = #tpu.pipeline_mode<synchronous>, transform_indices = @transform_1, window_bounds = array<i64: 1, 32>}, {pipeline_mode = #tpu.pipeline_mode<synchronous>, transform_indices = @transform_2, window_bounds = array<i64: 1, 32>}, {pipeline_mode = #tpu.pipeline_mode<synchronous>, transform_indices = @transform_3, window_bounds = array<i64: 1, 32>}, {pipeline_mode = #tpu.pipeline_mode<synchronous>, transform_indices = @transform_4, window_bounds = array<i64: 1, 32>}, {pipeline_mode = #tpu.pipeline_mode<synchronous>, transform_indices = @transform_5, window_bounds = array<i64: 32, 64>}, {transform_indices = @transform_6, window_bounds = array<i64: 4096, 64>}, {pipeline_mode = #tpu.pipeline_mode<synchronous>, transform_indices = @transform_7, window_bounds = array<i64: 1, 64>}, {pipeline_mode = #tpu.pipeline_mode<synchronous>, transform_indices = @transform_8, window_bounds = array<i64: 1, 64>}]} {
    %get3A = arith.constant 0 : index
    %get3A_0 = arith.constant 0 : index
    %get3A_1 = vector.load %arg2[%get3A, %get3A_0] : memref<1x32xf32, #tpu.memory_space<vmem>>, vector<1x32xf32>
    %div3A = arith.constant 6.553600e+04 : f32
    %div3A_2 = vector.broadcast %div3A : f32 to vector<1x32xf32>
    %div3A_3 = arith.divf %get3A_1, %div3A_2 : vector<1x32xf32>
    %get3A_4 = arith.constant 0 : index
    %get3A_5 = arith.constant 0 : index
    %get3A_6 = vector.load %arg3[%get3A_4, %get3A_5] : memref<1x32xf32, #tpu.memory_space<vmem>>, vector<1x32xf32>
    %div3A_7 = arith.constant 6.553600e+04 : f32
    %div3A_8 = vector.broadcast %div3A_7 : f32 to vector<1x32xf32>
    %div3A_9 = arith.divf %get3A_6, %div3A_8 : vector<1x32xf32>
    %mul3A = arith.mulf %div3A_3, %div3A_3 : vector<1x32xf32>
    %sub3A = arith.subf %div3A_9, %mul3A : vector<1x32xf32>
    %get3A_10 = arith.constant 0 : index
    %get3A_11 = arith.constant 0 : index
    %get3A_12 = vector.load %arg1[%get3A_10, %get3A_11] : memref<4096x32xf32, #tpu.memory_space<vmem>>, vector<4096x32xf32>
    %sub3A_13 = vector.broadcast %div3A_3 : vector<1x32xf32> to vector<4096x32xf32>
    %sub3A_14 = arith.subf %get3A_12, %sub3A_13 : vector<4096x32xf32>
    %add3A = arith.constant 9.99999974E-6 : f32
    %add3A_15 = vector.broadcast %add3A : f32 to vector<1x32xf32>
    %add3A_16 = arith.addf %sub3A, %add3A_15 : vector<1x32xf32>
    %sqrt3A = math.sqrt %add3A_16 : vector<1x32xf32>
    %div3A_17 = vector.broadcast %sqrt3A : vector<1x32xf32> to vector<4096x32xf32>
    %div3A_18 = arith.divf %sub3A_14, %div3A_17 : vector<4096x32xf32>
    %get3A_19 = arith.constant 0 : index
    %get3A_20 = arith.constant 0 : index
    %get3A_21 = vector.load %arg4[%get3A_19, %get3A_20] : memref<1x32xf32, #tpu.memory_space<vmem>>, vector<1x32xf32>
    %mul3A_22 = vector.broadcast %get3A_21 : vector<1x32xf32> to vector<4096x32xf32>
    %mul3A_23 = arith.mulf %div3A_18, %mul3A_22 : vector<4096x32xf32>
    %get3A_24 = arith.constant 0 : index
    %get3A_25 = arith.constant 0 : index
    %get3A_26 = vector.load %arg5[%get3A_24, %get3A_25] : memref<1x32xf32, #tpu.memory_space<vmem>>, vector<1x32xf32>
    %add3A_27 = vector.broadcast %get3A_26 : vector<1x32xf32> to vector<4096x32xf32>
    %add3A_28 = arith.addf %mul3A_23, %add3A_27 : vector<4096x32xf32>
    %max3A = arith.constant 0.000000e+00 : f32
    %max3A_29 = vector.broadcast %max3A : f32 to vector<4096x32xf32>
    %max3A_30 = arith.maximumf %add3A_28, %max3A_29 : vector<4096x32xf32>
    %get3A_31 = arith.constant 0 : index
    %get3A_32 = arith.constant 0 : index
    %get3A_33 = vector.load %arg6[%get3A_31, %get3A_32] : memref<32x64xf32, #tpu.memory_space<vmem>>, vector<32x64xf32>
    %dot_general3A = arith.constant dense<0.000000e+00> : vector<4096x64xf32>
    %dot_general3A_34 = tpu.matmul %max3A_30, %get3A_33, %dot_general3A {dimension_numbers = #tpu.dot_dimension_numbers<[1], [0], [0], [1], [0, 0, 1, 1], [], []>, transpose_lhs_hint = false} : vector<4096x32xf32>, vector<32x64xf32>, vector<4096x64xf32> -> vector<4096x64xf32>
    %swap3A = arith.constant 0 : index
    %swap3A_35 = arith.constant 0 : index
    %swap3A_36 = vector.load %arg7[%swap3A, %swap3A_35] : memref<4096x64xf32, #tpu.memory_space<vmem>>, vector<4096x64xf32>
    tpu.vector_store %arg7[%swap3A, %swap3A_35], %dot_general3A_34 {strides = array<i32>} : memref<4096x64xf32, #tpu.memory_space<vmem>>, vector<4096x64xf32>,
    %eq3A = arith.constant 0 : i32
    %eq3A_37 = arith.cmpi eq, %arg0, %eq3A : i32
    %convert_element_type3A = arith.extui %eq3A_37 : i1 to i32
    %cond3A = arith.constant 0 : i32
    %cond3A_38 = arith.cmpi ne, %convert_element_type3A, %cond3A : i32
    scf.if %cond3A_38 {
      %broadcast_in_dim3A_58 = arith.constant 0.000000e+00 : f32
      %broadcast_in_dim3A_59 = vector.broadcast %broadcast_in_dim3A_58 : f32 to vector<1x64xf32>
      %swap3A_60 = arith.constant 0 : index
      %swap3A_61 = arith.constant 0 : index
      %swap3A_62 = vector.load %arg8[%swap3A_60, %swap3A_61] : memref<1x64xf32, #tpu.memory_space<vmem>>, vector<1x64xf32>
      tpu.vector_store %arg8[%swap3A_60, %swap3A_61], %broadcast_in_dim3A_59 {strides = array<i32>} : memref<1x64xf32, #tpu.memory_space<vmem>>, vector<1x64xf32>,
      %broadcast_in_dim3A_63 = arith.constant 0.000000e+00 : f32
      %broadcast_in_dim3A_64 = vector.broadcast %broadcast_in_dim3A_63 : f32 to vector<1x64xf32>
      %swap3A_65 = arith.constant 0 : index
      %swap3A_66 = arith.constant 0 : index
      %swap3A_67 = vector.load %arg9[%swap3A_65, %swap3A_66] : memref<1x64xf32, #tpu.memory_space<vmem>>, vector<1x64xf32>
      tpu.vector_store %arg9[%swap3A_65, %swap3A_66], %broadcast_in_dim3A_64 {strides = array<i32>} : memref<1x64xf32, #tpu.memory_space<vmem>>, vector<1x64xf32>,
    } else {
    }
    %get3A_39 = arith.constant 0 : index
    %get3A_40 = arith.constant 0 : index
    %get3A_41 = vector.load %arg8[%get3A_39, %get3A_40] : memref<1x64xf32, #tpu.memory_space<vmem>>, vector<1x64xf32>
    %reduce_sum3A = arith.constant dense<0.000000e+00> : vector<64xf32>
    %reduce_sum3A_42 = vector.multi_reduction <add>, %dot_general3A_34, %reduce_sum3A [0] : vector<4096x64xf32> to vector<64xf32>
    %broadcast_in_dim3A = vector.shape_cast %reduce_sum3A_42 : vector<64xf32> to vector<1x64xf32>
    %add3A_43 = arith.addf %get3A_41, %broadcast_in_dim3A : vector<1x64xf32>
    %swap3A_44 = arith.constant 0 : index
    %swap3A_45 = arith.constant 0 : index
    %swap3A_46 = vector.load %arg8[%swap3A_44, %swap3A_45] : memref<1x64xf32, #tpu.memory_space<vmem>>, vector<1x64xf32>
    tpu.vector_store %arg8[%swap3A_44, %swap3A_45], %add3A_43 {strides = array<i32>} : memref<1x64xf32, #tpu.memory_space<vmem>>, vector<1x64xf32>,
    %get3A_47 = arith.constant 0 : index
    %get3A_48 = arith.constant 0 : index
    %get3A_49 = vector.load %arg9[%get3A_47, %get3A_48] : memref<1x64xf32, #tpu.memory_space<vmem>>, vector<1x64xf32>
    %mul3A_50 = arith.mulf %dot_general3A_34, %dot_general3A_34 : vector<4096x64xf32>
    %reduce_sum3A_51 = arith.constant dense<0.000000e+00> : vector<64xf32>
    %reduce_sum3A_52 = vector.multi_reduction <add>, %mul3A_50, %reduce_sum3A_51 [0] : vector<4096x64xf32> to vector<64xf32>
    %broadcast_in_dim3A_53 = vector.shape_cast %reduce_sum3A_52 : vector<64xf32> to vector<1x64xf32>
    %add3A_54 = arith.addf %get3A_49, %broadcast_in_dim3A_53 : vector<1x64xf32>
    %swap3A_55 = arith.constant 0 : index
    %swap3A_56 = arith.constant 0 : index
    %swap3A_57 = vector.load %arg9[%swap3A_55, %swap3A_56] : memref<1x64xf32, #tpu.memory_space<vmem>>, vector<1x64xf32>
    tpu.vector_store %arg9[%swap3A_55, %swap3A_56], %add3A_54 {strides = array<i32>} : memref<1x64xf32, #tpu.memory_space<vmem>>, vector<1x64xf32>,
    return
  }
  func.func @transform_0(%arg0: i32) -> (i32, i32) {
    %c0_i32 = arith.constant 0 : i32
    %c0_i32_0 = arith.constant 0 : i32
    return %arg0, %c0_i32 : i32, i32
  }
  func.func @transform_1(%arg0: i32) -> (i32, i32) {
    %c0_i32 = arith.constant 0 : i32
    %c0_i32_0 = arith.constant 0 : i32
    %c0_i32_1 = arith.constant 0 : i32
    return %c0_i32, %c0_i32_0 : i32, i32
  }
  func.func @transform_2(%arg0: i32) -> (i32, i32) {
    %c0_i32 = arith.constant 0 : i32
    %c0_i32_0 = arith.constant 0 : i32
    %c0_i32_1 = arith.constant 0 : i32
    return %c0_i32, %c0_i32_0 : i32, i32
  }
  func.func @transform_3(%arg0: i32) -> (i32, i32) {
    %c0_i32 = arith.constant 0 : i32
    %c0_i32_0 = arith.constant 0 : i32
    %c0_i32_1 = arith.constant 0 : i32
    return %c0_i32, %c0_i32_0 : i32, i32
  }
  func.func @transform_4(%arg0: i32) -> (i32, i32) {
    %c0_i32 = arith.constant 0 : i32
    %c0_i32_0 = arith.constant 0 : i32
    %c0_i32_1 = arith.constant 0 : i32
    return %c0_i32, %c0_i32_0 : i32, i32
  }
  func.func @transform_5(%arg0: i32) -> (i32, i32) {
    %c0_i32 = arith.constant 0 : i32
    %c0_i32_0 = arith.constant 0 : i32
    %c0_i32_1 = arith.constant 0 : i32
    return %c0_i32, %c0_i32_0 : i32, i32
  }
  func.func @transform_6(%arg0: i32) -> (i32, i32) {
    %c0_i32 = arith.constant 0 : i32
    %c0_i32_0 = arith.constant 0 : i32
    return %arg0, %c0_i32 : i32, i32
  }
  func.func @transform_7(%arg0: i32) -> (i32, i32) {
    %c0_i32 = arith.constant 0 : i32
    %c0_i32_0 = arith.constant 0 : i32
    %c0_i32_1 = arith.constant 0 : i32
    return %c0_i32, %c0_i32_0 : i32, i32
  }
  func.func @transform_8(%arg0: i32) -> (i32, i32) {
    %c0_i32 = arith.constant 0 : i32
    %c0_i32_0 = arith.constant 0 : i32
    %c0_i32_1 = arith.constant 0 : i32
    return %c0_i32, %c0_i32_0 : i32, i32
  }
}

module attributes {stable_mosaic.version = 14 : i64} {
  func.func @_pool_body(%arg0: i32, %arg1: memref<4096x64xf32, #tpu.memory_space<vmem>>, %arg2: memref<1x64xf32, #tpu.memory_space<vmem>>, %arg3: memref<1x64xf32, #tpu.memory_space<vmem>>, %arg4: memref<1x64xf32, #tpu.memory_space<vmem>>, %arg5: memref<1x64xf32, #tpu.memory_space<vmem>>, %arg6: memref<256x64xf32, #tpu.memory_space<vmem>>) attributes {dimension_semantics = [#tpu.dimension_semantics<arbitrary>], iteration_bounds = array<i64: 16>, scalar_prefetch = 0 : i64, scratch_operands = 0 : i64, tpu.core_type = #tpu.core_type<tc>, window_params = [{transform_indices = @transform_0, window_bounds = array<i64: 4096, 64>}, {pipeline_mode = #tpu.pipeline_mode<synchronous>, transform_indices = @transform_1, window_bounds = array<i64: 1, 64>}, {pipeline_mode = #tpu.pipeline_mode<synchronous>, transform_indices = @transform_2, window_bounds = array<i64: 1, 64>}, {pipeline_mode = #tpu.pipeline_mode<synchronous>, transform_indices = @transform_3, window_bounds = array<i64: 1, 64>}, {pipeline_mode = #tpu.pipeline_mode<synchronous>, transform_indices = @transform_4, window_bounds = array<i64: 1, 64>}, {transform_indices = @transform_5, window_bounds = array<i64: 256, 64>}]} {
    %get3A = arith.constant 0 : index
    %get3A_0 = arith.constant 0 : index
    %get3A_1 = vector.load %arg2[%get3A, %get3A_0] : memref<1x64xf32, #tpu.memory_space<vmem>>, vector<1x64xf32>
    %div3A = arith.constant 6.553600e+04 : f32
    %div3A_2 = vector.broadcast %div3A : f32 to vector<1x64xf32>
    %div3A_3 = arith.divf %get3A_1, %div3A_2 : vector<1x64xf32>
    %get3A_4 = arith.constant 0 : index
    %get3A_5 = arith.constant 0 : index
    %get3A_6 = vector.load %arg3[%get3A_4, %get3A_5] : memref<1x64xf32, #tpu.memory_space<vmem>>, vector<1x64xf32>
    %div3A_7 = arith.constant 6.553600e+04 : f32
    %div3A_8 = vector.broadcast %div3A_7 : f32 to vector<1x64xf32>
    %div3A_9 = arith.divf %get3A_6, %div3A_8 : vector<1x64xf32>
    %mul3A = arith.mulf %div3A_3, %div3A_3 : vector<1x64xf32>
    %sub3A = arith.subf %div3A_9, %mul3A : vector<1x64xf32>
    %get3A_10 = arith.constant 0 : index
    %get3A_11 = arith.constant 0 : index
    %get3A_12 = vector.load %arg1[%get3A_10, %get3A_11] : memref<4096x64xf32, #tpu.memory_space<vmem>>, vector<4096x64xf32>
    %sub3A_13 = vector.broadcast %div3A_3 : vector<1x64xf32> to vector<4096x64xf32>
    %sub3A_14 = arith.subf %get3A_12, %sub3A_13 : vector<4096x64xf32>
    %add3A = arith.constant 9.99999974E-6 : f32
    %add3A_15 = vector.broadcast %add3A : f32 to vector<1x64xf32>
    %add3A_16 = arith.addf %sub3A, %add3A_15 : vector<1x64xf32>
    %sqrt3A = math.sqrt %add3A_16 : vector<1x64xf32>
    %div3A_17 = vector.broadcast %sqrt3A : vector<1x64xf32> to vector<4096x64xf32>
    %div3A_18 = arith.divf %sub3A_14, %div3A_17 : vector<4096x64xf32>
    %get3A_19 = arith.constant 0 : index
    %get3A_20 = arith.constant 0 : index
    %get3A_21 = vector.load %arg4[%get3A_19, %get3A_20] : memref<1x64xf32, #tpu.memory_space<vmem>>, vector<1x64xf32>
    %mul3A_22 = vector.broadcast %get3A_21 : vector<1x64xf32> to vector<4096x64xf32>
    %mul3A_23 = arith.mulf %div3A_18, %mul3A_22 : vector<4096x64xf32>
    %get3A_24 = arith.constant 0 : index
    %get3A_25 = arith.constant 0 : index
    %get3A_26 = vector.load %arg5[%get3A_24, %get3A_25] : memref<1x64xf32, #tpu.memory_space<vmem>>, vector<1x64xf32>
    %add3A_27 = vector.broadcast %get3A_26 : vector<1x64xf32> to vector<4096x64xf32>
    %add3A_28 = arith.addf %mul3A_23, %add3A_27 : vector<4096x64xf32>
    %max3A = arith.constant 0.000000e+00 : f32
    %max3A_29 = vector.broadcast %max3A : f32 to vector<4096x64xf32>
    %max3A_30 = arith.maximumf %add3A_28, %max3A_29 : vector<4096x64xf32>
    %reshape3A = vector.shape_cast %max3A_30 : vector<4096x64xf32> to vector<256x16x64xf32>
    %reduce_max3A = arith.constant dense<0xFF800000> : vector<256x64xf32>
    %reduce_max3A_31 = vector.multi_reduction <maximumf>, %reshape3A, %reduce_max3A [1] : vector<256x16x64xf32> to vector<256x64xf32>
    %swap3A = arith.constant 0 : index
    %swap3A_32 = arith.constant 0 : index
    %swap3A_33 = vector.load %arg6[%swap3A, %swap3A_32] : memref<256x64xf32, #tpu.memory_space<vmem>>, vector<256x64xf32>
    tpu.vector_store %arg6[%swap3A, %swap3A_32], %reduce_max3A_31 {strides = array<i32>} : memref<256x64xf32, #tpu.memory_space<vmem>>, vector<256x64xf32>,
    return
  }
  func.func @transform_0(%arg0: i32) -> (i32, i32) {
    %c0_i32 = arith.constant 0 : i32
    %c0_i32_0 = arith.constant 0 : i32
    return %arg0, %c0_i32 : i32, i32
  }
  func.func @transform_1(%arg0: i32) -> (i32, i32) {
    %c0_i32 = arith.constant 0 : i32
    %c0_i32_0 = arith.constant 0 : i32
    %c0_i32_1 = arith.constant 0 : i32
    return %c0_i32, %c0_i32_0 : i32, i32
  }
  func.func @transform_2(%arg0: i32) -> (i32, i32) {
    %c0_i32 = arith.constant 0 : i32
    %c0_i32_0 = arith.constant 0 : i32
    %c0_i32_1 = arith.constant 0 : i32
    return %c0_i32, %c0_i32_0 : i32, i32
  }
  func.func @transform_3(%arg0: i32) -> (i32, i32) {
    %c0_i32 = arith.constant 0 : i32
    %c0_i32_0 = arith.constant 0 : i32
    %c0_i32_1 = arith.constant 0 : i32
    return %c0_i32, %c0_i32_0 : i32, i32
  }
  func.func @transform_4(%arg0: i32) -> (i32, i32) {
    %c0_i32 = arith.constant 0 : i32
    %c0_i32_0 = arith.constant 0 : i32
    %c0_i32_1 = arith.constant 0 : i32
    return %c0_i32, %c0_i32_0 : i32, i32
  }
  func.func @transform_5(%arg0: i32) -> (i32, i32) {
    %c0_i32 = arith.constant 0 : i32
    %c0_i32_0 = arith.constant 0 : i32
    return %arg0, %c0_i32 : i32, i32
  }
}

module attributes {stable_mosaic.version = 14 : i64} {
  func.func @_l1_body(%arg0: i32, %arg1: memref<4096x128xf32, #tpu.memory_space<vmem>>, %arg2: memref<1x128x3xf32, #tpu.memory_space<vmem>>, %arg3: memref<128x64xf32, #tpu.memory_space<vmem>>, %arg4: memref<3x64xf32, #tpu.memory_space<vmem>>, %arg5: memref<4096x64xf32, #tpu.memory_space<vmem>>, %arg6: memref<1x64xf32, #tpu.memory_space<vmem>>, %arg7: memref<1x64xf32, #tpu.memory_space<vmem>>) attributes {dimension_semantics = [#tpu.dimension_semantics<arbitrary>], iteration_bounds = array<i64: 32>, scalar_prefetch = 0 : i64, scratch_operands = 0 : i64, tpu.core_type = #tpu.core_type<tc>, window_params = [{transform_indices = @transform_0, window_bounds = array<i64: 4096, 128>}, {transform_indices = @transform_1, window_bounds = array<i64: 1, 128, 3>}, {pipeline_mode = #tpu.pipeline_mode<synchronous>, transform_indices = @transform_2, window_bounds = array<i64: 128, 64>}, {pipeline_mode = #tpu.pipeline_mode<synchronous>, transform_indices = @transform_3, window_bounds = array<i64: 3, 64>}, {transform_indices = @transform_4, window_bounds = array<i64: 4096, 64>}, {pipeline_mode = #tpu.pipeline_mode<synchronous>, transform_indices = @transform_5, window_bounds = array<i64: 1, 64>}, {pipeline_mode = #tpu.pipeline_mode<synchronous>, transform_indices = @transform_6, window_bounds = array<i64: 1, 64>}]} {
    %get3A = arith.constant 0 : index
    %get3A_0 = arith.constant 0 : index
    %get3A_1 = vector.load %arg1[%get3A, %get3A_0] : memref<4096x128xf32, #tpu.memory_space<vmem>>, vector<4096x128xf32>
    %get3A_2 = arith.constant 0 : index
    %get3A_3 = arith.constant 0 : index
    %get3A_4 = vector.load %arg3[%get3A_2, %get3A_3] : memref<128x64xf32, #tpu.memory_space<vmem>>, vector<128x64xf32>
    %dot_general3A = arith.constant dense<0.000000e+00> : vector<4096x64xf32>
    %dot_general3A_5 = tpu.matmul %get3A_1, %get3A_4, %dot_general3A {dimension_numbers = #tpu.dot_dimension_numbers<[1], [0], [0], [1], [0, 0, 1, 1], [], []>, transpose_lhs_hint = false} : vector<4096x128xf32>, vector<128x64xf32>, vector<4096x64xf32> -> vector<4096x64xf32>
    %get3A_6 = arith.constant 0 : index
    %get3A_7 = arith.constant 0 : index
    %get3A_8 = arith.constant 0 : index
    %get3A_9 = vector.load %arg2[%get3A_6, %get3A_7, %get3A_8] : memref<1x128x3xf32, #tpu.memory_space<vmem>>, vector<1x128x3xf32>
    %get3A_10 = vector.shape_cast %get3A_9 : vector<1x128x3xf32> to vector<128x3xf32>
    %get3A_11 = arith.constant 0 : index
    %get3A_12 = arith.constant 0 : index
    %get3A_13 = vector.load %arg4[%get3A_11, %get3A_12] : memref<3x64xf32, #tpu.memory_space<vmem>>, vector<3x64xf32>
    %dot_general3A_14 = arith.constant dense<0.000000e+00> : vector<128x64xf32>
    %dot_general3A_15 = tpu.matmul %get3A_10, %get3A_13, %dot_general3A_14 {dimension_numbers = #tpu.dot_dimension_numbers<[1], [0], [0], [1], [0, 0, 1, 1], [], []>, transpose_lhs_hint = false} : vector<128x3xf32>, vector<3x64xf32>, vector<128x64xf32> -> vector<128x64xf32>
    %broadcast_in_dim3A = vector.shape_cast %dot_general3A_15 : vector<128x64xf32> to vector<128x1x64xf32>
    %broadcast_in_dim3A_16 = vector.shape_cast %broadcast_in_dim3A : vector<128x1x64xf32> to vector<128x1x64xf32>
    %broadcast_in_dim3A_17 = vector.broadcast %broadcast_in_dim3A_16 : vector<128x1x64xf32> to vector<128x32x64xf32>
    %reshape3A = vector.shape_cast %broadcast_in_dim3A_17 : vector<128x32x64xf32> to vector<4096x64xf32>
    %sub3A = arith.subf %dot_general3A_5, %reshape3A : vector<4096x64xf32>
    %swap3A = arith.constant 0 : index
    %swap3A_18 = arith.constant 0 : index
    %swap3A_19 = vector.load %arg5[%swap3A, %swap3A_18] : memref<4096x64xf32, #tpu.memory_space<vmem>>, vector<4096x64xf32>
    tpu.vector_store %arg5[%swap3A, %swap3A_18], %sub3A {strides = array<i32>} : memref<4096x64xf32, #tpu.memory_space<vmem>>, vector<4096x64xf32>,
    %eq3A = arith.constant 0 : i32
    %eq3A_20 = arith.cmpi eq, %arg0, %eq3A : i32
    %convert_element_type3A = arith.extui %eq3A_20 : i1 to i32
    %cond3A = arith.constant 0 : i32
    %cond3A_21 = arith.cmpi ne, %convert_element_type3A, %cond3A : i32
    scf.if %cond3A_21 {
      %broadcast_in_dim3A_40 = arith.constant 0.000000e+00 : f32
      %broadcast_in_dim3A_41 = vector.broadcast %broadcast_in_dim3A_40 : f32 to vector<1x64xf32>
      %swap3A_42 = arith.constant 0 : index
      %swap3A_43 = arith.constant 0 : index
      %swap3A_44 = vector.load %arg6[%swap3A_42, %swap3A_43] : memref<1x64xf32, #tpu.memory_space<vmem>>, vector<1x64xf32>
      tpu.vector_store %arg6[%swap3A_42, %swap3A_43], %broadcast_in_dim3A_41 {strides = array<i32>} : memref<1x64xf32, #tpu.memory_space<vmem>>, vector<1x64xf32>,
      %broadcast_in_dim3A_45 = arith.constant 0.000000e+00 : f32
      %broadcast_in_dim3A_46 = vector.broadcast %broadcast_in_dim3A_45 : f32 to vector<1x64xf32>
      %swap3A_47 = arith.constant 0 : index
      %swap3A_48 = arith.constant 0 : index
      %swap3A_49 = vector.load %arg7[%swap3A_47, %swap3A_48] : memref<1x64xf32, #tpu.memory_space<vmem>>, vector<1x64xf32>
      tpu.vector_store %arg7[%swap3A_47, %swap3A_48], %broadcast_in_dim3A_46 {strides = array<i32>} : memref<1x64xf32, #tpu.memory_space<vmem>>, vector<1x64xf32>,
    } else {
    }
    %get3A_22 = arith.constant 0 : index
    %get3A_23 = arith.constant 0 : index
    %get3A_24 = vector.load %arg6[%get3A_22, %get3A_23] : memref<1x64xf32, #tpu.memory_space<vmem>>, vector<1x64xf32>
    %reduce_sum3A = arith.constant dense<0.000000e+00> : vector<64xf32>
    %reduce_sum3A_25 = vector.multi_reduction <add>, %sub3A, %reduce_sum3A [0] : vector<4096x64xf32> to vector<64xf32>
    %broadcast_in_dim3A_26 = vector.shape_cast %reduce_sum3A_25 : vector<64xf32> to vector<1x64xf32>
    %add3A = arith.addf %get3A_24, %broadcast_in_dim3A_26 : vector<1x64xf32>
    %swap3A_27 = arith.constant 0 : index
    %swap3A_28 = arith.constant 0 : index
    %swap3A_29 = vector.load %arg6[%swap3A_27, %swap3A_28] : memref<1x64xf32, #tpu.memory_space<vmem>>, vector<1x64xf32>
    tpu.vector_store %arg6[%swap3A_27, %swap3A_28], %add3A {strides = array<i32>} : memref<1x64xf32, #tpu.memory_space<vmem>>, vector<1x64xf32>,
    %get3A_30 = arith.constant 0 : index
    %get3A_31 = arith.constant 0 : index
    %get3A_32 = vector.load %arg7[%get3A_30, %get3A_31] : memref<1x64xf32, #tpu.memory_space<vmem>>, vector<1x64xf32>
    %mul3A = arith.mulf %sub3A, %sub3A : vector<4096x64xf32>
    %reduce_sum3A_33 = arith.constant dense<0.000000e+00> : vector<64xf32>
    %reduce_sum3A_34 = vector.multi_reduction <add>, %mul3A, %reduce_sum3A_33 [0] : vector<4096x64xf32> to vector<64xf32>
    %broadcast_in_dim3A_35 = vector.shape_cast %reduce_sum3A_34 : vector<64xf32> to vector<1x64xf32>
    %add3A_36 = arith.addf %get3A_32, %broadcast_in_dim3A_35 : vector<1x64xf32>
    %swap3A_37 = arith.constant 0 : index
    %swap3A_38 = arith.constant 0 : index
    %swap3A_39 = vector.load %arg7[%swap3A_37, %swap3A_38] : memref<1x64xf32, #tpu.memory_space<vmem>>, vector<1x64xf32>
    tpu.vector_store %arg7[%swap3A_37, %swap3A_38], %add3A_36 {strides = array<i32>} : memref<1x64xf32, #tpu.memory_space<vmem>>, vector<1x64xf32>,
    return
  }
  func.func @transform_0(%arg0: i32) -> (i32, i32) {
    %c0_i32 = arith.constant 0 : i32
    %c0_i32_0 = arith.constant 0 : i32
    return %arg0, %c0_i32 : i32, i32
  }
  func.func @transform_1(%arg0: i32) -> (i32, i32, i32) {
    %jit3A = arith.constant 4 : i32
    %div3A = arith.divsi %arg0, %jit3A : i32
    %sign3A = arith.constant 0 : i32
    %sign3A_0 = arith.cmpi sgt, %arg0, %sign3A : i32
    %sign3A_1 = arith.extui %sign3A_0 : i1 to i32
    %sign3A_2 = arith.constant 0 : i32
    %sign3A_3 = arith.cmpi slt, %arg0, %sign3A_2 : i32
    %sign3A_4 = arith.extui %sign3A_3 : i1 to i32
    %sign3A_5 = arith.subi %sign3A_1, %sign3A_4 : i32
    %sign3A_6 = arith.constant 0 : i32
    %sign3A_7 = arith.cmpi sgt, %jit3A, %sign3A_6 : i32
    %sign3A_8 = arith.extui %sign3A_7 : i1 to i32
    %sign3A_9 = arith.constant 0 : i32
    %sign3A_10 = arith.cmpi slt, %jit3A, %sign3A_9 : i32
    %sign3A_11 = arith.extui %sign3A_10 : i1 to i32
    %sign3A_12 = arith.subi %sign3A_8, %sign3A_11 : i32
    %ne3A = arith.cmpi ne, %sign3A_5, %sign3A_12 : i32
    %rem3A = arith.remsi %arg0, %jit3A : i32
    %ne3A_13 = arith.constant 0 : i32
    %ne3A_14 = arith.cmpi ne, %rem3A, %ne3A_13 : i32
    %and3A = arith.andi %ne3A, %ne3A_14 : i1
    %sub3A = arith.constant 1 : i32
    %sub3A_15 = arith.subi %div3A, %sub3A : i32
    %select_n3A = arith.select %and3A, %sub3A_15, %div3A : i32
    %jit3A_16 = arith.constant 4 : i32
    %eq3A = arith.constant 0 : i32
    %eq3A_17 = arith.cmpi eq, %jit3A_16, %eq3A : i32
    %jit3A_18 = arith.constant 1 : i32
    %select_n3A_19 = arith.select %eq3A_17, %jit3A_18, %jit3A_16 : i32
    %rem3A_20 = arith.remsi %arg0, %select_n3A_19 : i32
    %ne3A_21 = arith.constant 0 : i32
    %ne3A_22 = arith.cmpi ne, %rem3A_20, %ne3A_21 : i32
    %lt3A = arith.constant 0 : i32
    %lt3A_23 = arith.cmpi slt, %rem3A_20, %lt3A : i32
    %lt3A_24 = arith.constant 0 : i32
    %lt3A_25 = arith.cmpi slt, %select_n3A_19, %lt3A_24 : i32
    %ne3A_26 = arith.xori %lt3A_23, %lt3A_25 : i1
    %and3A_27 = arith.andi %ne3A_26, %ne3A_22 : i1
    %add3A = arith.addi %rem3A_20, %select_n3A_19 : i32
    %select_n3A_28 = arith.select %and3A_27, %add3A, %rem3A_20 : i32
    %c0_i32 = arith.constant 0 : i32
    %c0_i32_29 = arith.constant 0 : i32
    return %select_n3A, %select_n3A_28, %c0_i32 : i32, i32, i32
  }
  func.func @transform_2(%arg0: i32) -> (i32, i32) {
    %c0_i32 = arith.constant 0 : i32
    %c0_i32_0 = arith.constant 0 : i32
    %c0_i32_1 = arith.constant 0 : i32
    return %c0_i32, %c0_i32_0 : i32, i32
  }
  func.func @transform_3(%arg0: i32) -> (i32, i32) {
    %c0_i32 = arith.constant 0 : i32
    %c0_i32_0 = arith.constant 0 : i32
    %c0_i32_1 = arith.constant 0 : i32
    return %c0_i32, %c0_i32_0 : i32, i32
  }
  func.func @transform_4(%arg0: i32) -> (i32, i32) {
    %c0_i32 = arith.constant 0 : i32
    %c0_i32_0 = arith.constant 0 : i32
    return %arg0, %c0_i32 : i32, i32
  }
  func.func @transform_5(%arg0: i32) -> (i32, i32) {
    %c0_i32 = arith.constant 0 : i32
    %c0_i32_0 = arith.constant 0 : i32
    %c0_i32_1 = arith.constant 0 : i32
    return %c0_i32, %c0_i32_0 : i32, i32
  }
  func.func @transform_6(%arg0: i32) -> (i32, i32) {
    %c0_i32 = arith.constant 0 : i32
    %c0_i32_0 = arith.constant 0 : i32
    %c0_i32_1 = arith.constant 0 : i32
    return %c0_i32, %c0_i32_0 : i32, i32
  }
}

module attributes {stable_mosaic.version = 14 : i64} {
  func.func @_mid_body(%arg0: i32, %arg1: memref<4096x64xf32, #tpu.memory_space<vmem>>, %arg2: memref<1x64xf32, #tpu.memory_space<vmem>>, %arg3: memref<1x64xf32, #tpu.memory_space<vmem>>, %arg4: memref<1x64xf32, #tpu.memory_space<vmem>>, %arg5: memref<1x64xf32, #tpu.memory_space<vmem>>, %arg6: memref<64x64xf32, #tpu.memory_space<vmem>>, %arg7: memref<4096x64xf32, #tpu.memory_space<vmem>>, %arg8: memref<1x64xf32, #tpu.memory_space<vmem>>, %arg9: memref<1x64xf32, #tpu.memory_space<vmem>>) attributes {dimension_semantics = [#tpu.dimension_semantics<arbitrary>], iteration_bounds = array<i64: 32>, scalar_prefetch = 0 : i64, scratch_operands = 0 : i64, tpu.core_type = #tpu.core_type<tc>, window_params = [{transform_indices = @transform_0, window_bounds = array<i64: 4096, 64>}, {pipeline_mode = #tpu.pipeline_mode<synchronous>, transform_indices = @transform_1, window_bounds = array<i64: 1, 64>}, {pipeline_mode = #tpu.pipeline_mode<synchronous>, transform_indices = @transform_2, window_bounds = array<i64: 1, 64>}, {pipeline_mode = #tpu.pipeline_mode<synchronous>, transform_indices = @transform_3, window_bounds = array<i64: 1, 64>}, {pipeline_mode = #tpu.pipeline_mode<synchronous>, transform_indices = @transform_4, window_bounds = array<i64: 1, 64>}, {pipeline_mode = #tpu.pipeline_mode<synchronous>, transform_indices = @transform_5, window_bounds = array<i64: 64, 64>}, {transform_indices = @transform_6, window_bounds = array<i64: 4096, 64>}, {pipeline_mode = #tpu.pipeline_mode<synchronous>, transform_indices = @transform_7, window_bounds = array<i64: 1, 64>}, {pipeline_mode = #tpu.pipeline_mode<synchronous>, transform_indices = @transform_8, window_bounds = array<i64: 1, 64>}]} {
    %get3A = arith.constant 0 : index
    %get3A_0 = arith.constant 0 : index
    %get3A_1 = vector.load %arg2[%get3A, %get3A_0] : memref<1x64xf32, #tpu.memory_space<vmem>>, vector<1x64xf32>
    %div3A = arith.constant 1.310720e+05 : f32
    %div3A_2 = vector.broadcast %div3A : f32 to vector<1x64xf32>
    %div3A_3 = arith.divf %get3A_1, %div3A_2 : vector<1x64xf32>
    %get3A_4 = arith.constant 0 : index
    %get3A_5 = arith.constant 0 : index
    %get3A_6 = vector.load %arg3[%get3A_4, %get3A_5] : memref<1x64xf32, #tpu.memory_space<vmem>>, vector<1x64xf32>
    %div3A_7 = arith.constant 1.310720e+05 : f32
    %div3A_8 = vector.broadcast %div3A_7 : f32 to vector<1x64xf32>
    %div3A_9 = arith.divf %get3A_6, %div3A_8 : vector<1x64xf32>
    %mul3A = arith.mulf %div3A_3, %div3A_3 : vector<1x64xf32>
    %sub3A = arith.subf %div3A_9, %mul3A : vector<1x64xf32>
    %get3A_10 = arith.constant 0 : index
    %get3A_11 = arith.constant 0 : index
    %get3A_12 = vector.load %arg1[%get3A_10, %get3A_11] : memref<4096x64xf32, #tpu.memory_space<vmem>>, vector<4096x64xf32>
    %sub3A_13 = vector.broadcast %div3A_3 : vector<1x64xf32> to vector<4096x64xf32>
    %sub3A_14 = arith.subf %get3A_12, %sub3A_13 : vector<4096x64xf32>
    %add3A = arith.constant 9.99999974E-6 : f32
    %add3A_15 = vector.broadcast %add3A : f32 to vector<1x64xf32>
    %add3A_16 = arith.addf %sub3A, %add3A_15 : vector<1x64xf32>
    %sqrt3A = math.sqrt %add3A_16 : vector<1x64xf32>
    %div3A_17 = vector.broadcast %sqrt3A : vector<1x64xf32> to vector<4096x64xf32>
    %div3A_18 = arith.divf %sub3A_14, %div3A_17 : vector<4096x64xf32>
    %get3A_19 = arith.constant 0 : index
    %get3A_20 = arith.constant 0 : index
    %get3A_21 = vector.load %arg4[%get3A_19, %get3A_20] : memref<1x64xf32, #tpu.memory_space<vmem>>, vector<1x64xf32>
    %mul3A_22 = vector.broadcast %get3A_21 : vector<1x64xf32> to vector<4096x64xf32>
    %mul3A_23 = arith.mulf %div3A_18, %mul3A_22 : vector<4096x64xf32>
    %get3A_24 = arith.constant 0 : index
    %get3A_25 = arith.constant 0 : index
    %get3A_26 = vector.load %arg5[%get3A_24, %get3A_25] : memref<1x64xf32, #tpu.memory_space<vmem>>, vector<1x64xf32>
    %add3A_27 = vector.broadcast %get3A_26 : vector<1x64xf32> to vector<4096x64xf32>
    %add3A_28 = arith.addf %mul3A_23, %add3A_27 : vector<4096x64xf32>
    %max3A = arith.constant 0.000000e+00 : f32
    %max3A_29 = vector.broadcast %max3A : f32 to vector<4096x64xf32>
    %max3A_30 = arith.maximumf %add3A_28, %max3A_29 : vector<4096x64xf32>
    %get3A_31 = arith.constant 0 : index
    %get3A_32 = arith.constant 0 : index
    %get3A_33 = vector.load %arg6[%get3A_31, %get3A_32] : memref<64x64xf32, #tpu.memory_space<vmem>>, vector<64x64xf32>
    %dot_general3A = arith.constant dense<0.000000e+00> : vector<4096x64xf32>
    %dot_general3A_34 = tpu.matmul %max3A_30, %get3A_33, %dot_general3A {dimension_numbers = #tpu.dot_dimension_numbers<[1], [0], [0], [1], [0, 0, 1, 1], [], []>, transpose_lhs_hint = false} : vector<4096x64xf32>, vector<64x64xf32>, vector<4096x64xf32> -> vector<4096x64xf32>
    %swap3A = arith.constant 0 : index
    %swap3A_35 = arith.constant 0 : index
    %swap3A_36 = vector.load %arg7[%swap3A, %swap3A_35] : memref<4096x64xf32, #tpu.memory_space<vmem>>, vector<4096x64xf32>
    tpu.vector_store %arg7[%swap3A, %swap3A_35], %dot_general3A_34 {strides = array<i32>} : memref<4096x64xf32, #tpu.memory_space<vmem>>, vector<4096x64xf32>,
    %eq3A = arith.constant 0 : i32
    %eq3A_37 = arith.cmpi eq, %arg0, %eq3A : i32
    %convert_element_type3A = arith.extui %eq3A_37 : i1 to i32
    %cond3A = arith.constant 0 : i32
    %cond3A_38 = arith.cmpi ne, %convert_element_type3A, %cond3A : i32
    scf.if %cond3A_38 {
      %broadcast_in_dim3A_58 = arith.constant 0.000000e+00 : f32
      %broadcast_in_dim3A_59 = vector.broadcast %broadcast_in_dim3A_58 : f32 to vector<1x64xf32>
      %swap3A_60 = arith.constant 0 : index
      %swap3A_61 = arith.constant 0 : index
      %swap3A_62 = vector.load %arg8[%swap3A_60, %swap3A_61] : memref<1x64xf32, #tpu.memory_space<vmem>>, vector<1x64xf32>
      tpu.vector_store %arg8[%swap3A_60, %swap3A_61], %broadcast_in_dim3A_59 {strides = array<i32>} : memref<1x64xf32, #tpu.memory_space<vmem>>, vector<1x64xf32>,
      %broadcast_in_dim3A_63 = arith.constant 0.000000e+00 : f32
      %broadcast_in_dim3A_64 = vector.broadcast %broadcast_in_dim3A_63 : f32 to vector<1x64xf32>
      %swap3A_65 = arith.constant 0 : index
      %swap3A_66 = arith.constant 0 : index
      %swap3A_67 = vector.load %arg9[%swap3A_65, %swap3A_66] : memref<1x64xf32, #tpu.memory_space<vmem>>, vector<1x64xf32>
      tpu.vector_store %arg9[%swap3A_65, %swap3A_66], %broadcast_in_dim3A_64 {strides = array<i32>} : memref<1x64xf32, #tpu.memory_space<vmem>>, vector<1x64xf32>,
    } else {
    }
    %get3A_39 = arith.constant 0 : index
    %get3A_40 = arith.constant 0 : index
    %get3A_41 = vector.load %arg8[%get3A_39, %get3A_40] : memref<1x64xf32, #tpu.memory_space<vmem>>, vector<1x64xf32>
    %reduce_sum3A = arith.constant dense<0.000000e+00> : vector<64xf32>
    %reduce_sum3A_42 = vector.multi_reduction <add>, %dot_general3A_34, %reduce_sum3A [0] : vector<4096x64xf32> to vector<64xf32>
    %broadcast_in_dim3A = vector.shape_cast %reduce_sum3A_42 : vector<64xf32> to vector<1x64xf32>
    %add3A_43 = arith.addf %get3A_41, %broadcast_in_dim3A : vector<1x64xf32>
    %swap3A_44 = arith.constant 0 : index
    %swap3A_45 = arith.constant 0 : index
    %swap3A_46 = vector.load %arg8[%swap3A_44, %swap3A_45] : memref<1x64xf32, #tpu.memory_space<vmem>>, vector<1x64xf32>
    tpu.vector_store %arg8[%swap3A_44, %swap3A_45], %add3A_43 {strides = array<i32>} : memref<1x64xf32, #tpu.memory_space<vmem>>, vector<1x64xf32>,
    %get3A_47 = arith.constant 0 : index
    %get3A_48 = arith.constant 0 : index
    %get3A_49 = vector.load %arg9[%get3A_47, %get3A_48] : memref<1x64xf32, #tpu.memory_space<vmem>>, vector<1x64xf32>
    %mul3A_50 = arith.mulf %dot_general3A_34, %dot_general3A_34 : vector<4096x64xf32>
    %reduce_sum3A_51 = arith.constant dense<0.000000e+00> : vector<64xf32>
    %reduce_sum3A_52 = vector.multi_reduction <add>, %mul3A_50, %reduce_sum3A_51 [0] : vector<4096x64xf32> to vector<64xf32>
    %broadcast_in_dim3A_53 = vector.shape_cast %reduce_sum3A_52 : vector<64xf32> to vector<1x64xf32>
    %add3A_54 = arith.addf %get3A_49, %broadcast_in_dim3A_53 : vector<1x64xf32>
    %swap3A_55 = arith.constant 0 : index
    %swap3A_56 = arith.constant 0 : index
    %swap3A_57 = vector.load %arg9[%swap3A_55, %swap3A_56] : memref<1x64xf32, #tpu.memory_space<vmem>>, vector<1x64xf32>
    tpu.vector_store %arg9[%swap3A_55, %swap3A_56], %add3A_54 {strides = array<i32>} : memref<1x64xf32, #tpu.memory_space<vmem>>, vector<1x64xf32>,
    return
  }
  func.func @transform_0(%arg0: i32) -> (i32, i32) {
    %c0_i32 = arith.constant 0 : i32
    %c0_i32_0 = arith.constant 0 : i32
    return %arg0, %c0_i32 : i32, i32
  }
  func.func @transform_1(%arg0: i32) -> (i32, i32) {
    %c0_i32 = arith.constant 0 : i32
    %c0_i32_0 = arith.constant 0 : i32
    %c0_i32_1 = arith.constant 0 : i32
    return %c0_i32, %c0_i32_0 : i32, i32
  }
  func.func @transform_2(%arg0: i32) -> (i32, i32) {
    %c0_i32 = arith.constant 0 : i32
    %c0_i32_0 = arith.constant 0 : i32
    %c0_i32_1 = arith.constant 0 : i32
    return %c0_i32, %c0_i32_0 : i32, i32
  }
  func.func @transform_3(%arg0: i32) -> (i32, i32) {
    %c0_i32 = arith.constant 0 : i32
    %c0_i32_0 = arith.constant 0 : i32
    %c0_i32_1 = arith.constant 0 : i32
    return %c0_i32, %c0_i32_0 : i32, i32
  }
  func.func @transform_4(%arg0: i32) -> (i32, i32) {
    %c0_i32 = arith.constant 0 : i32
    %c0_i32_0 = arith.constant 0 : i32
    %c0_i32_1 = arith.constant 0 : i32
    return %c0_i32, %c0_i32_0 : i32, i32
  }
  func.func @transform_5(%arg0: i32) -> (i32, i32) {
    %c0_i32 = arith.constant 0 : i32
    %c0_i32_0 = arith.constant 0 : i32
    %c0_i32_1 = arith.constant 0 : i32
    return %c0_i32, %c0_i32_0 : i32, i32
  }
  func.func @transform_6(%arg0: i32) -> (i32, i32) {
    %c0_i32 = arith.constant 0 : i32
    %c0_i32_0 = arith.constant 0 : i32
    return %arg0, %c0_i32 : i32, i32
  }
  func.func @transform_7(%arg0: i32) -> (i32, i32) {
    %c0_i32 = arith.constant 0 : i32
    %c0_i32_0 = arith.constant 0 : i32
    %c0_i32_1 = arith.constant 0 : i32
    return %c0_i32, %c0_i32_0 : i32, i32
  }
  func.func @transform_8(%arg0: i32) -> (i32, i32) {
    %c0_i32 = arith.constant 0 : i32
    %c0_i32_0 = arith.constant 0 : i32
    %c0_i32_1 = arith.constant 0 : i32
    return %c0_i32, %c0_i32_0 : i32, i32
  }
}

module attributes {stable_mosaic.version = 14 : i64} {
  func.func @_mid_body(%arg0: i32, %arg1: memref<4096x64xf32, #tpu.memory_space<vmem>>, %arg2: memref<1x64xf32, #tpu.memory_space<vmem>>, %arg3: memref<1x64xf32, #tpu.memory_space<vmem>>, %arg4: memref<1x64xf32, #tpu.memory_space<vmem>>, %arg5: memref<1x64xf32, #tpu.memory_space<vmem>>, %arg6: memref<64x128xf32, #tpu.memory_space<vmem>>, %arg7: memref<4096x128xf32, #tpu.memory_space<vmem>>, %arg8: memref<1x128xf32, #tpu.memory_space<vmem>>, %arg9: memref<1x128xf32, #tpu.memory_space<vmem>>) attributes {dimension_semantics = [#tpu.dimension_semantics<arbitrary>], iteration_bounds = array<i64: 32>, scalar_prefetch = 0 : i64, scratch_operands = 0 : i64, tpu.core_type = #tpu.core_type<tc>, window_params = [{transform_indices = @transform_0, window_bounds = array<i64: 4096, 64>}, {pipeline_mode = #tpu.pipeline_mode<synchronous>, transform_indices = @transform_1, window_bounds = array<i64: 1, 64>}, {pipeline_mode = #tpu.pipeline_mode<synchronous>, transform_indices = @transform_2, window_bounds = array<i64: 1, 64>}, {pipeline_mode = #tpu.pipeline_mode<synchronous>, transform_indices = @transform_3, window_bounds = array<i64: 1, 64>}, {pipeline_mode = #tpu.pipeline_mode<synchronous>, transform_indices = @transform_4, window_bounds = array<i64: 1, 64>}, {pipeline_mode = #tpu.pipeline_mode<synchronous>, transform_indices = @transform_5, window_bounds = array<i64: 64, 128>}, {transform_indices = @transform_6, window_bounds = array<i64: 4096, 128>}, {pipeline_mode = #tpu.pipeline_mode<synchronous>, transform_indices = @transform_7, window_bounds = array<i64: 1, 128>}, {pipeline_mode = #tpu.pipeline_mode<synchronous>, transform_indices = @transform_8, window_bounds = array<i64: 1, 128>}]} {
    %get3A = arith.constant 0 : index
    %get3A_0 = arith.constant 0 : index
    %get3A_1 = vector.load %arg2[%get3A, %get3A_0] : memref<1x64xf32, #tpu.memory_space<vmem>>, vector<1x64xf32>
    %div3A = arith.constant 1.310720e+05 : f32
    %div3A_2 = vector.broadcast %div3A : f32 to vector<1x64xf32>
    %div3A_3 = arith.divf %get3A_1, %div3A_2 : vector<1x64xf32>
    %get3A_4 = arith.constant 0 : index
    %get3A_5 = arith.constant 0 : index
    %get3A_6 = vector.load %arg3[%get3A_4, %get3A_5] : memref<1x64xf32, #tpu.memory_space<vmem>>, vector<1x64xf32>
    %div3A_7 = arith.constant 1.310720e+05 : f32
    %div3A_8 = vector.broadcast %div3A_7 : f32 to vector<1x64xf32>
    %div3A_9 = arith.divf %get3A_6, %div3A_8 : vector<1x64xf32>
    %mul3A = arith.mulf %div3A_3, %div3A_3 : vector<1x64xf32>
    %sub3A = arith.subf %div3A_9, %mul3A : vector<1x64xf32>
    %get3A_10 = arith.constant 0 : index
    %get3A_11 = arith.constant 0 : index
    %get3A_12 = vector.load %arg1[%get3A_10, %get3A_11] : memref<4096x64xf32, #tpu.memory_space<vmem>>, vector<4096x64xf32>
    %sub3A_13 = vector.broadcast %div3A_3 : vector<1x64xf32> to vector<4096x64xf32>
    %sub3A_14 = arith.subf %get3A_12, %sub3A_13 : vector<4096x64xf32>
    %add3A = arith.constant 9.99999974E-6 : f32
    %add3A_15 = vector.broadcast %add3A : f32 to vector<1x64xf32>
    %add3A_16 = arith.addf %sub3A, %add3A_15 : vector<1x64xf32>
    %sqrt3A = math.sqrt %add3A_16 : vector<1x64xf32>
    %div3A_17 = vector.broadcast %sqrt3A : vector<1x64xf32> to vector<4096x64xf32>
    %div3A_18 = arith.divf %sub3A_14, %div3A_17 : vector<4096x64xf32>
    %get3A_19 = arith.constant 0 : index
    %get3A_20 = arith.constant 0 : index
    %get3A_21 = vector.load %arg4[%get3A_19, %get3A_20] : memref<1x64xf32, #tpu.memory_space<vmem>>, vector<1x64xf32>
    %mul3A_22 = vector.broadcast %get3A_21 : vector<1x64xf32> to vector<4096x64xf32>
    %mul3A_23 = arith.mulf %div3A_18, %mul3A_22 : vector<4096x64xf32>
    %get3A_24 = arith.constant 0 : index
    %get3A_25 = arith.constant 0 : index
    %get3A_26 = vector.load %arg5[%get3A_24, %get3A_25] : memref<1x64xf32, #tpu.memory_space<vmem>>, vector<1x64xf32>
    %add3A_27 = vector.broadcast %get3A_26 : vector<1x64xf32> to vector<4096x64xf32>
    %add3A_28 = arith.addf %mul3A_23, %add3A_27 : vector<4096x64xf32>
    %max3A = arith.constant 0.000000e+00 : f32
    %max3A_29 = vector.broadcast %max3A : f32 to vector<4096x64xf32>
    %max3A_30 = arith.maximumf %add3A_28, %max3A_29 : vector<4096x64xf32>
    %get3A_31 = arith.constant 0 : index
    %get3A_32 = arith.constant 0 : index
    %get3A_33 = vector.load %arg6[%get3A_31, %get3A_32] : memref<64x128xf32, #tpu.memory_space<vmem>>, vector<64x128xf32>
    %dot_general3A = arith.constant dense<0.000000e+00> : vector<4096x128xf32>
    %dot_general3A_34 = tpu.matmul %max3A_30, %get3A_33, %dot_general3A {dimension_numbers = #tpu.dot_dimension_numbers<[1], [0], [0], [1], [0, 0, 1, 1], [], []>, transpose_lhs_hint = false} : vector<4096x64xf32>, vector<64x128xf32>, vector<4096x128xf32> -> vector<4096x128xf32>
    %swap3A = arith.constant 0 : index
    %swap3A_35 = arith.constant 0 : index
    %swap3A_36 = vector.load %arg7[%swap3A, %swap3A_35] : memref<4096x128xf32, #tpu.memory_space<vmem>>, vector<4096x128xf32>
    tpu.vector_store %arg7[%swap3A, %swap3A_35], %dot_general3A_34 {strides = array<i32>} : memref<4096x128xf32, #tpu.memory_space<vmem>>, vector<4096x128xf32>,
    %eq3A = arith.constant 0 : i32
    %eq3A_37 = arith.cmpi eq, %arg0, %eq3A : i32
    %convert_element_type3A = arith.extui %eq3A_37 : i1 to i32
    %cond3A = arith.constant 0 : i32
    %cond3A_38 = arith.cmpi ne, %convert_element_type3A, %cond3A : i32
    scf.if %cond3A_38 {
      %broadcast_in_dim3A_58 = arith.constant 0.000000e+00 : f32
      %broadcast_in_dim3A_59 = vector.broadcast %broadcast_in_dim3A_58 : f32 to vector<1x128xf32>
      %swap3A_60 = arith.constant 0 : index
      %swap3A_61 = arith.constant 0 : index
      %swap3A_62 = vector.load %arg8[%swap3A_60, %swap3A_61] : memref<1x128xf32, #tpu.memory_space<vmem>>, vector<1x128xf32>
      tpu.vector_store %arg8[%swap3A_60, %swap3A_61], %broadcast_in_dim3A_59 {strides = array<i32>} : memref<1x128xf32, #tpu.memory_space<vmem>>, vector<1x128xf32>,
      %broadcast_in_dim3A_63 = arith.constant 0.000000e+00 : f32
      %broadcast_in_dim3A_64 = vector.broadcast %broadcast_in_dim3A_63 : f32 to vector<1x128xf32>
      %swap3A_65 = arith.constant 0 : index
      %swap3A_66 = arith.constant 0 : index
      %swap3A_67 = vector.load %arg9[%swap3A_65, %swap3A_66] : memref<1x128xf32, #tpu.memory_space<vmem>>, vector<1x128xf32>
      tpu.vector_store %arg9[%swap3A_65, %swap3A_66], %broadcast_in_dim3A_64 {strides = array<i32>} : memref<1x128xf32, #tpu.memory_space<vmem>>, vector<1x128xf32>,
    } else {
    }
    %get3A_39 = arith.constant 0 : index
    %get3A_40 = arith.constant 0 : index
    %get3A_41 = vector.load %arg8[%get3A_39, %get3A_40] : memref<1x128xf32, #tpu.memory_space<vmem>>, vector<1x128xf32>
    %reduce_sum3A = arith.constant dense<0.000000e+00> : vector<128xf32>
    %reduce_sum3A_42 = vector.multi_reduction <add>, %dot_general3A_34, %reduce_sum3A [0] : vector<4096x128xf32> to vector<128xf32>
    %broadcast_in_dim3A = vector.shape_cast %reduce_sum3A_42 : vector<128xf32> to vector<1x128xf32>
    %add3A_43 = arith.addf %get3A_41, %broadcast_in_dim3A : vector<1x128xf32>
    %swap3A_44 = arith.constant 0 : index
    %swap3A_45 = arith.constant 0 : index
    %swap3A_46 = vector.load %arg8[%swap3A_44, %swap3A_45] : memref<1x128xf32, #tpu.memory_space<vmem>>, vector<1x128xf32>
    tpu.vector_store %arg8[%swap3A_44, %swap3A_45], %add3A_43 {strides = array<i32>} : memref<1x128xf32, #tpu.memory_space<vmem>>, vector<1x128xf32>,
    %get3A_47 = arith.constant 0 : index
    %get3A_48 = arith.constant 0 : index
    %get3A_49 = vector.load %arg9[%get3A_47, %get3A_48] : memref<1x128xf32, #tpu.memory_space<vmem>>, vector<1x128xf32>
    %mul3A_50 = arith.mulf %dot_general3A_34, %dot_general3A_34 : vector<4096x128xf32>
    %reduce_sum3A_51 = arith.constant dense<0.000000e+00> : vector<128xf32>
    %reduce_sum3A_52 = vector.multi_reduction <add>, %mul3A_50, %reduce_sum3A_51 [0] : vector<4096x128xf32> to vector<128xf32>
    %broadcast_in_dim3A_53 = vector.shape_cast %reduce_sum3A_52 : vector<128xf32> to vector<1x128xf32>
    %add3A_54 = arith.addf %get3A_49, %broadcast_in_dim3A_53 : vector<1x128xf32>
    %swap3A_55 = arith.constant 0 : index
    %swap3A_56 = arith.constant 0 : index
    %swap3A_57 = vector.load %arg9[%swap3A_55, %swap3A_56] : memref<1x128xf32, #tpu.memory_space<vmem>>, vector<1x128xf32>
    tpu.vector_store %arg9[%swap3A_55, %swap3A_56], %add3A_54 {strides = array<i32>} : memref<1x128xf32, #tpu.memory_space<vmem>>, vector<1x128xf32>,
    return
  }
  func.func @transform_0(%arg0: i32) -> (i32, i32) {
    %c0_i32 = arith.constant 0 : i32
    %c0_i32_0 = arith.constant 0 : i32
    return %arg0, %c0_i32 : i32, i32
  }
  func.func @transform_1(%arg0: i32) -> (i32, i32) {
    %c0_i32 = arith.constant 0 : i32
    %c0_i32_0 = arith.constant 0 : i32
    %c0_i32_1 = arith.constant 0 : i32
    return %c0_i32, %c0_i32_0 : i32, i32
  }
  func.func @transform_2(%arg0: i32) -> (i32, i32) {
    %c0_i32 = arith.constant 0 : i32
    %c0_i32_0 = arith.constant 0 : i32
    %c0_i32_1 = arith.constant 0 : i32
    return %c0_i32, %c0_i32_0 : i32, i32
  }
  func.func @transform_3(%arg0: i32) -> (i32, i32) {
    %c0_i32 = arith.constant 0 : i32
    %c0_i32_0 = arith.constant 0 : i32
    %c0_i32_1 = arith.constant 0 : i32
    return %c0_i32, %c0_i32_0 : i32, i32
  }
  func.func @transform_4(%arg0: i32) -> (i32, i32) {
    %c0_i32 = arith.constant 0 : i32
    %c0_i32_0 = arith.constant 0 : i32
    %c0_i32_1 = arith.constant 0 : i32
    return %c0_i32, %c0_i32_0 : i32, i32
  }
  func.func @transform_5(%arg0: i32) -> (i32, i32) {
    %c0_i32 = arith.constant 0 : i32
    %c0_i32_0 = arith.constant 0 : i32
    %c0_i32_1 = arith.constant 0 : i32
    return %c0_i32, %c0_i32_0 : i32, i32
  }
  func.func @transform_6(%arg0: i32) -> (i32, i32) {
    %c0_i32 = arith.constant 0 : i32
    %c0_i32_0 = arith.constant 0 : i32
    return %arg0, %c0_i32 : i32, i32
  }
  func.func @transform_7(%arg0: i32) -> (i32, i32) {
    %c0_i32 = arith.constant 0 : i32
    %c0_i32_0 = arith.constant 0 : i32
    %c0_i32_1 = arith.constant 0 : i32
    return %c0_i32, %c0_i32_0 : i32, i32
  }
  func.func @transform_8(%arg0: i32) -> (i32, i32) {
    %c0_i32 = arith.constant 0 : i32
    %c0_i32_0 = arith.constant 0 : i32
    %c0_i32_1 = arith.constant 0 : i32
    return %c0_i32, %c0_i32_0 : i32, i32
  }
}

module attributes {stable_mosaic.version = 14 : i64} {
  func.func @_pool_body(%arg0: i32, %arg1: memref<4096x128xf32, #tpu.memory_space<vmem>>, %arg2: memref<1x128xf32, #tpu.memory_space<vmem>>, %arg3: memref<1x128xf32, #tpu.memory_space<vmem>>, %arg4: memref<1x128xf32, #tpu.memory_space<vmem>>, %arg5: memref<1x128xf32, #tpu.memory_space<vmem>>, %arg6: memref<128x128xf32, #tpu.memory_space<vmem>>) attributes {dimension_semantics = [#tpu.dimension_semantics<arbitrary>], iteration_bounds = array<i64: 32>, scalar_prefetch = 0 : i64, scratch_operands = 0 : i64, tpu.core_type = #tpu.core_type<tc>, window_params = [{transform_indices = @transform_0, window_bounds = array<i64: 4096, 128>}, {pipeline_mode = #tpu.pipeline_mode<synchronous>, transform_indices = @transform_1, window_bounds = array<i64: 1, 128>}, {pipeline_mode = #tpu.pipeline_mode<synchronous>, transform_indices = @transform_2, window_bounds = array<i64: 1, 128>}, {pipeline_mode = #tpu.pipeline_mode<synchronous>, transform_indices = @transform_3, window_bounds = array<i64: 1, 128>}, {pipeline_mode = #tpu.pipeline_mode<synchronous>, transform_indices = @transform_4, window_bounds = array<i64: 1, 128>}, {transform_indices = @transform_5, window_bounds = array<i64: 128, 128>}]} {
    %get3A = arith.constant 0 : index
    %get3A_0 = arith.constant 0 : index
    %get3A_1 = vector.load %arg2[%get3A, %get3A_0] : memref<1x128xf32, #tpu.memory_space<vmem>>, vector<1x128xf32>
    %div3A = arith.constant 1.310720e+05 : f32
    %div3A_2 = vector.broadcast %div3A : f32 to vector<1x128xf32>
    %div3A_3 = arith.divf %get3A_1, %div3A_2 : vector<1x128xf32>
    %get3A_4 = arith.constant 0 : index
    %get3A_5 = arith.constant 0 : index
    %get3A_6 = vector.load %arg3[%get3A_4, %get3A_5] : memref<1x128xf32, #tpu.memory_space<vmem>>, vector<1x128xf32>
    %div3A_7 = arith.constant 1.310720e+05 : f32
    %div3A_8 = vector.broadcast %div3A_7 : f32 to vector<1x128xf32>
    %div3A_9 = arith.divf %get3A_6, %div3A_8 : vector<1x128xf32>
    %mul3A = arith.mulf %div3A_3, %div3A_3 : vector<1x128xf32>
    %sub3A = arith.subf %div3A_9, %mul3A : vector<1x128xf32>
    %get3A_10 = arith.constant 0 : index
    %get3A_11 = arith.constant 0 : index
    %get3A_12 = vector.load %arg1[%get3A_10, %get3A_11] : memref<4096x128xf32, #tpu.memory_space<vmem>>, vector<4096x128xf32>
    %sub3A_13 = vector.broadcast %div3A_3 : vector<1x128xf32> to vector<4096x128xf32>
    %sub3A_14 = arith.subf %get3A_12, %sub3A_13 : vector<4096x128xf32>
    %add3A = arith.constant 9.99999974E-6 : f32
    %add3A_15 = vector.broadcast %add3A : f32 to vector<1x128xf32>
    %add3A_16 = arith.addf %sub3A, %add3A_15 : vector<1x128xf32>
    %sqrt3A = math.sqrt %add3A_16 : vector<1x128xf32>
    %div3A_17 = vector.broadcast %sqrt3A : vector<1x128xf32> to vector<4096x128xf32>
    %div3A_18 = arith.divf %sub3A_14, %div3A_17 : vector<4096x128xf32>
    %get3A_19 = arith.constant 0 : index
    %get3A_20 = arith.constant 0 : index
    %get3A_21 = vector.load %arg4[%get3A_19, %get3A_20] : memref<1x128xf32, #tpu.memory_space<vmem>>, vector<1x128xf32>
    %mul3A_22 = vector.broadcast %get3A_21 : vector<1x128xf32> to vector<4096x128xf32>
    %mul3A_23 = arith.mulf %div3A_18, %mul3A_22 : vector<4096x128xf32>
    %get3A_24 = arith.constant 0 : index
    %get3A_25 = arith.constant 0 : index
    %get3A_26 = vector.load %arg5[%get3A_24, %get3A_25] : memref<1x128xf32, #tpu.memory_space<vmem>>, vector<1x128xf32>
    %add3A_27 = vector.broadcast %get3A_26 : vector<1x128xf32> to vector<4096x128xf32>
    %add3A_28 = arith.addf %mul3A_23, %add3A_27 : vector<4096x128xf32>
    %max3A = arith.constant 0.000000e+00 : f32
    %max3A_29 = vector.broadcast %max3A : f32 to vector<4096x128xf32>
    %max3A_30 = arith.maximumf %add3A_28, %max3A_29 : vector<4096x128xf32>
    %reshape3A = vector.shape_cast %max3A_30 : vector<4096x128xf32> to vector<128x32x128xf32>
    %reduce_max3A = arith.constant dense<0xFF800000> : vector<128x128xf32>
    %reduce_max3A_31 = vector.multi_reduction <maximumf>, %reshape3A, %reduce_max3A [1] : vector<128x32x128xf32> to vector<128x128xf32>
    %swap3A = arith.constant 0 : index
    %swap3A_32 = arith.constant 0 : index
    %swap3A_33 = vector.load %arg6[%swap3A, %swap3A_32] : memref<128x128xf32, #tpu.memory_space<vmem>>, vector<128x128xf32>
    tpu.vector_store %arg6[%swap3A, %swap3A_32], %reduce_max3A_31 {strides = array<i32>} : memref<128x128xf32, #tpu.memory_space<vmem>>, vector<128x128xf32>,
    return
  }
  func.func @transform_0(%arg0: i32) -> (i32, i32) {
    %c0_i32 = arith.constant 0 : i32
    %c0_i32_0 = arith.constant 0 : i32
    return %arg0, %c0_i32 : i32, i32
  }
  func.func @transform_1(%arg0: i32) -> (i32, i32) {
    %c0_i32 = arith.constant 0 : i32
    %c0_i32_0 = arith.constant 0 : i32
    %c0_i32_1 = arith.constant 0 : i32
    return %c0_i32, %c0_i32_0 : i32, i32
  }
  func.func @transform_2(%arg0: i32) -> (i32, i32) {
    %c0_i32 = arith.constant 0 : i32
    %c0_i32_0 = arith.constant 0 : i32
    %c0_i32_1 = arith.constant 0 : i32
    return %c0_i32, %c0_i32_0 : i32, i32
  }
  func.func @transform_3(%arg0: i32) -> (i32, i32) {
    %c0_i32 = arith.constant 0 : i32
    %c0_i32_0 = arith.constant 0 : i32
    %c0_i32_1 = arith.constant 0 : i32
    return %c0_i32, %c0_i32_0 : i32, i32
  }
  func.func @transform_4(%arg0: i32) -> (i32, i32) {
    %c0_i32 = arith.constant 0 : i32
    %c0_i32_0 = arith.constant 0 : i32
    %c0_i32_1 = arith.constant 0 : i32
    return %c0_i32, %c0_i32_0 : i32, i32
  }
  func.func @transform_5(%arg0: i32) -> (i32, i32) {
    %c0_i32 = arith.constant 0 : i32
    %c0_i32_0 = arith.constant 0 : i32
    return %arg0, %c0_i32 : i32, i32
  }
}

module attributes {stable_mosaic.version = 14 : i64} {
  func.func @_l1_body(%arg0: i32, %arg1: memref<4096x128xf32, #tpu.memory_space<vmem>>, %arg2: memref<1x64x3xf32, #tpu.memory_space<vmem>>, %arg3: memref<128x64xf32, #tpu.memory_space<vmem>>, %arg4: memref<3x64xf32, #tpu.memory_space<vmem>>, %arg5: memref<4096x64xf32, #tpu.memory_space<vmem>>, %arg6: memref<1x64xf32, #tpu.memory_space<vmem>>, %arg7: memref<1x64xf32, #tpu.memory_space<vmem>>) attributes {dimension_semantics = [#tpu.dimension_semantics<arbitrary>], iteration_bounds = array<i64: 64>, scalar_prefetch = 0 : i64, scratch_operands = 0 : i64, tpu.core_type = #tpu.core_type<tc>, window_params = [{transform_indices = @transform_0, window_bounds = array<i64: 4096, 128>}, {transform_indices = @transform_1, window_bounds = array<i64: 1, 64, 3>}, {pipeline_mode = #tpu.pipeline_mode<synchronous>, transform_indices = @transform_2, window_bounds = array<i64: 128, 64>}, {pipeline_mode = #tpu.pipeline_mode<synchronous>, transform_indices = @transform_3, window_bounds = array<i64: 3, 64>}, {transform_indices = @transform_4, window_bounds = array<i64: 4096, 64>}, {pipeline_mode = #tpu.pipeline_mode<synchronous>, transform_indices = @transform_5, window_bounds = array<i64: 1, 64>}, {pipeline_mode = #tpu.pipeline_mode<synchronous>, transform_indices = @transform_6, window_bounds = array<i64: 1, 64>}]} {
    %get3A = arith.constant 0 : index
    %get3A_0 = arith.constant 0 : index
    %get3A_1 = vector.load %arg1[%get3A, %get3A_0] : memref<4096x128xf32, #tpu.memory_space<vmem>>, vector<4096x128xf32>
    %get3A_2 = arith.constant 0 : index
    %get3A_3 = arith.constant 0 : index
    %get3A_4 = vector.load %arg3[%get3A_2, %get3A_3] : memref<128x64xf32, #tpu.memory_space<vmem>>, vector<128x64xf32>
    %dot_general3A = arith.constant dense<0.000000e+00> : vector<4096x64xf32>
    %dot_general3A_5 = tpu.matmul %get3A_1, %get3A_4, %dot_general3A {dimension_numbers = #tpu.dot_dimension_numbers<[1], [0], [0], [1], [0, 0, 1, 1], [], []>, transpose_lhs_hint = false} : vector<4096x128xf32>, vector<128x64xf32>, vector<4096x64xf32> -> vector<4096x64xf32>
    %get3A_6 = arith.constant 0 : index
    %get3A_7 = arith.constant 0 : index
    %get3A_8 = arith.constant 0 : index
    %get3A_9 = vector.load %arg2[%get3A_6, %get3A_7, %get3A_8] : memref<1x64x3xf32, #tpu.memory_space<vmem>>, vector<1x64x3xf32>
    %get3A_10 = vector.shape_cast %get3A_9 : vector<1x64x3xf32> to vector<64x3xf32>
    %get3A_11 = arith.constant 0 : index
    %get3A_12 = arith.constant 0 : index
    %get3A_13 = vector.load %arg4[%get3A_11, %get3A_12] : memref<3x64xf32, #tpu.memory_space<vmem>>, vector<3x64xf32>
    %dot_general3A_14 = arith.constant dense<0.000000e+00> : vector<64x64xf32>
    %dot_general3A_15 = tpu.matmul %get3A_10, %get3A_13, %dot_general3A_14 {dimension_numbers = #tpu.dot_dimension_numbers<[1], [0], [0], [1], [0, 0, 1, 1], [], []>, transpose_lhs_hint = false} : vector<64x3xf32>, vector<3x64xf32>, vector<64x64xf32> -> vector<64x64xf32>
    %broadcast_in_dim3A = vector.shape_cast %dot_general3A_15 : vector<64x64xf32> to vector<64x1x64xf32>
    %broadcast_in_dim3A_16 = vector.shape_cast %broadcast_in_dim3A : vector<64x1x64xf32> to vector<64x1x64xf32>
    %broadcast_in_dim3A_17 = vector.broadcast %broadcast_in_dim3A_16 : vector<64x1x64xf32> to vector<64x64x64xf32>
    %reshape3A = vector.shape_cast %broadcast_in_dim3A_17 : vector<64x64x64xf32> to vector<4096x64xf32>
    %sub3A = arith.subf %dot_general3A_5, %reshape3A : vector<4096x64xf32>
    %swap3A = arith.constant 0 : index
    %swap3A_18 = arith.constant 0 : index
    %swap3A_19 = vector.load %arg5[%swap3A, %swap3A_18] : memref<4096x64xf32, #tpu.memory_space<vmem>>, vector<4096x64xf32>
    tpu.vector_store %arg5[%swap3A, %swap3A_18], %sub3A {strides = array<i32>} : memref<4096x64xf32, #tpu.memory_space<vmem>>, vector<4096x64xf32>,
    %eq3A = arith.constant 0 : i32
    %eq3A_20 = arith.cmpi eq, %arg0, %eq3A : i32
    %convert_element_type3A = arith.extui %eq3A_20 : i1 to i32
    %cond3A = arith.constant 0 : i32
    %cond3A_21 = arith.cmpi ne, %convert_element_type3A, %cond3A : i32
    scf.if %cond3A_21 {
      %broadcast_in_dim3A_40 = arith.constant 0.000000e+00 : f32
      %broadcast_in_dim3A_41 = vector.broadcast %broadcast_in_dim3A_40 : f32 to vector<1x64xf32>
      %swap3A_42 = arith.constant 0 : index
      %swap3A_43 = arith.constant 0 : index
      %swap3A_44 = vector.load %arg6[%swap3A_42, %swap3A_43] : memref<1x64xf32, #tpu.memory_space<vmem>>, vector<1x64xf32>
      tpu.vector_store %arg6[%swap3A_42, %swap3A_43], %broadcast_in_dim3A_41 {strides = array<i32>} : memref<1x64xf32, #tpu.memory_space<vmem>>, vector<1x64xf32>,
      %broadcast_in_dim3A_45 = arith.constant 0.000000e+00 : f32
      %broadcast_in_dim3A_46 = vector.broadcast %broadcast_in_dim3A_45 : f32 to vector<1x64xf32>
      %swap3A_47 = arith.constant 0 : index
      %swap3A_48 = arith.constant 0 : index
      %swap3A_49 = vector.load %arg7[%swap3A_47, %swap3A_48] : memref<1x64xf32, #tpu.memory_space<vmem>>, vector<1x64xf32>
      tpu.vector_store %arg7[%swap3A_47, %swap3A_48], %broadcast_in_dim3A_46 {strides = array<i32>} : memref<1x64xf32, #tpu.memory_space<vmem>>, vector<1x64xf32>,
    } else {
    }
    %get3A_22 = arith.constant 0 : index
    %get3A_23 = arith.constant 0 : index
    %get3A_24 = vector.load %arg6[%get3A_22, %get3A_23] : memref<1x64xf32, #tpu.memory_space<vmem>>, vector<1x64xf32>
    %reduce_sum3A = arith.constant dense<0.000000e+00> : vector<64xf32>
    %reduce_sum3A_25 = vector.multi_reduction <add>, %sub3A, %reduce_sum3A [0] : vector<4096x64xf32> to vector<64xf32>
    %broadcast_in_dim3A_26 = vector.shape_cast %reduce_sum3A_25 : vector<64xf32> to vector<1x64xf32>
    %add3A = arith.addf %get3A_24, %broadcast_in_dim3A_26 : vector<1x64xf32>
    %swap3A_27 = arith.constant 0 : index
    %swap3A_28 = arith.constant 0 : index
    %swap3A_29 = vector.load %arg6[%swap3A_27, %swap3A_28] : memref<1x64xf32, #tpu.memory_space<vmem>>, vector<1x64xf32>
    tpu.vector_store %arg6[%swap3A_27, %swap3A_28], %add3A {strides = array<i32>} : memref<1x64xf32, #tpu.memory_space<vmem>>, vector<1x64xf32>,
    %get3A_30 = arith.constant 0 : index
    %get3A_31 = arith.constant 0 : index
    %get3A_32 = vector.load %arg7[%get3A_30, %get3A_31] : memref<1x64xf32, #tpu.memory_space<vmem>>, vector<1x64xf32>
    %mul3A = arith.mulf %sub3A, %sub3A : vector<4096x64xf32>
    %reduce_sum3A_33 = arith.constant dense<0.000000e+00> : vector<64xf32>
    %reduce_sum3A_34 = vector.multi_reduction <add>, %mul3A, %reduce_sum3A_33 [0] : vector<4096x64xf32> to vector<64xf32>
    %broadcast_in_dim3A_35 = vector.shape_cast %reduce_sum3A_34 : vector<64xf32> to vector<1x64xf32>
    %add3A_36 = arith.addf %get3A_32, %broadcast_in_dim3A_35 : vector<1x64xf32>
    %swap3A_37 = arith.constant 0 : index
    %swap3A_38 = arith.constant 0 : index
    %swap3A_39 = vector.load %arg7[%swap3A_37, %swap3A_38] : memref<1x64xf32, #tpu.memory_space<vmem>>, vector<1x64xf32>
    tpu.vector_store %arg7[%swap3A_37, %swap3A_38], %add3A_36 {strides = array<i32>} : memref<1x64xf32, #tpu.memory_space<vmem>>, vector<1x64xf32>,
    return
  }
  func.func @transform_0(%arg0: i32) -> (i32, i32) {
    %c0_i32 = arith.constant 0 : i32
    %c0_i32_0 = arith.constant 0 : i32
    return %arg0, %c0_i32 : i32, i32
  }
  func.func @transform_1(%arg0: i32) -> (i32, i32, i32) {
    %jit3A = arith.constant 8 : i32
    %div3A = arith.divsi %arg0, %jit3A : i32
    %sign3A = arith.constant 0 : i32
    %sign3A_0 = arith.cmpi sgt, %arg0, %sign3A : i32
    %sign3A_1 = arith.extui %sign3A_0 : i1 to i32
    %sign3A_2 = arith.constant 0 : i32
    %sign3A_3 = arith.cmpi slt, %arg0, %sign3A_2 : i32
    %sign3A_4 = arith.extui %sign3A_3 : i1 to i32
    %sign3A_5 = arith.subi %sign3A_1, %sign3A_4 : i32
    %sign3A_6 = arith.constant 0 : i32
    %sign3A_7 = arith.cmpi sgt, %jit3A, %sign3A_6 : i32
    %sign3A_8 = arith.extui %sign3A_7 : i1 to i32
    %sign3A_9 = arith.constant 0 : i32
    %sign3A_10 = arith.cmpi slt, %jit3A, %sign3A_9 : i32
    %sign3A_11 = arith.extui %sign3A_10 : i1 to i32
    %sign3A_12 = arith.subi %sign3A_8, %sign3A_11 : i32
    %ne3A = arith.cmpi ne, %sign3A_5, %sign3A_12 : i32
    %rem3A = arith.remsi %arg0, %jit3A : i32
    %ne3A_13 = arith.constant 0 : i32
    %ne3A_14 = arith.cmpi ne, %rem3A, %ne3A_13 : i32
    %and3A = arith.andi %ne3A, %ne3A_14 : i1
    %sub3A = arith.constant 1 : i32
    %sub3A_15 = arith.subi %div3A, %sub3A : i32
    %select_n3A = arith.select %and3A, %sub3A_15, %div3A : i32
    %jit3A_16 = arith.constant 8 : i32
    %eq3A = arith.constant 0 : i32
    %eq3A_17 = arith.cmpi eq, %jit3A_16, %eq3A : i32
    %jit3A_18 = arith.constant 1 : i32
    %select_n3A_19 = arith.select %eq3A_17, %jit3A_18, %jit3A_16 : i32
    %rem3A_20 = arith.remsi %arg0, %select_n3A_19 : i32
    %ne3A_21 = arith.constant 0 : i32
    %ne3A_22 = arith.cmpi ne, %rem3A_20, %ne3A_21 : i32
    %lt3A = arith.constant 0 : i32
    %lt3A_23 = arith.cmpi slt, %rem3A_20, %lt3A : i32
    %lt3A_24 = arith.constant 0 : i32
    %lt3A_25 = arith.cmpi slt, %select_n3A_19, %lt3A_24 : i32
    %ne3A_26 = arith.xori %lt3A_23, %lt3A_25 : i1
    %and3A_27 = arith.andi %ne3A_26, %ne3A_22 : i1
    %add3A = arith.addi %rem3A_20, %select_n3A_19 : i32
    %select_n3A_28 = arith.select %and3A_27, %add3A, %rem3A_20 : i32
    %c0_i32 = arith.constant 0 : i32
    %c0_i32_29 = arith.constant 0 : i32
    return %select_n3A, %select_n3A_28, %c0_i32 : i32, i32, i32
  }
  func.func @transform_2(%arg0: i32) -> (i32, i32) {
    %c0_i32 = arith.constant 0 : i32
    %c0_i32_0 = arith.constant 0 : i32
    %c0_i32_1 = arith.constant 0 : i32
    return %c0_i32, %c0_i32_0 : i32, i32
  }
  func.func @transform_3(%arg0: i32) -> (i32, i32) {
    %c0_i32 = arith.constant 0 : i32
    %c0_i32_0 = arith.constant 0 : i32
    %c0_i32_1 = arith.constant 0 : i32
    return %c0_i32, %c0_i32_0 : i32, i32
  }
  func.func @transform_4(%arg0: i32) -> (i32, i32) {
    %c0_i32 = arith.constant 0 : i32
    %c0_i32_0 = arith.constant 0 : i32
    return %arg0, %c0_i32 : i32, i32
  }
  func.func @transform_5(%arg0: i32) -> (i32, i32) {
    %c0_i32 = arith.constant 0 : i32
    %c0_i32_0 = arith.constant 0 : i32
    %c0_i32_1 = arith.constant 0 : i32
    return %c0_i32, %c0_i32_0 : i32, i32
  }
  func.func @transform_6(%arg0: i32) -> (i32, i32) {
    %c0_i32 = arith.constant 0 : i32
    %c0_i32_0 = arith.constant 0 : i32
    %c0_i32_1 = arith.constant 0 : i32
    return %c0_i32, %c0_i32_0 : i32, i32
  }
}

module attributes {stable_mosaic.version = 14 : i64} {
  func.func @_mid_body(%arg0: i32, %arg1: memref<4096x64xf32, #tpu.memory_space<vmem>>, %arg2: memref<1x64xf32, #tpu.memory_space<vmem>>, %arg3: memref<1x64xf32, #tpu.memory_space<vmem>>, %arg4: memref<1x64xf32, #tpu.memory_space<vmem>>, %arg5: memref<1x64xf32, #tpu.memory_space<vmem>>, %arg6: memref<64x96xf32, #tpu.memory_space<vmem>>, %arg7: memref<4096x96xf32, #tpu.memory_space<vmem>>, %arg8: memref<1x96xf32, #tpu.memory_space<vmem>>, %arg9: memref<1x96xf32, #tpu.memory_space<vmem>>) attributes {dimension_semantics = [#tpu.dimension_semantics<arbitrary>], iteration_bounds = array<i64: 64>, scalar_prefetch = 0 : i64, scratch_operands = 0 : i64, tpu.core_type = #tpu.core_type<tc>, window_params = [{transform_indices = @transform_0, window_bounds = array<i64: 4096, 64>}, {pipeline_mode = #tpu.pipeline_mode<synchronous>, transform_indices = @transform_1, window_bounds = array<i64: 1, 64>}, {pipeline_mode = #tpu.pipeline_mode<synchronous>, transform_indices = @transform_2, window_bounds = array<i64: 1, 64>}, {pipeline_mode = #tpu.pipeline_mode<synchronous>, transform_indices = @transform_3, window_bounds = array<i64: 1, 64>}, {pipeline_mode = #tpu.pipeline_mode<synchronous>, transform_indices = @transform_4, window_bounds = array<i64: 1, 64>}, {pipeline_mode = #tpu.pipeline_mode<synchronous>, transform_indices = @transform_5, window_bounds = array<i64: 64, 96>}, {transform_indices = @transform_6, window_bounds = array<i64: 4096, 96>}, {pipeline_mode = #tpu.pipeline_mode<synchronous>, transform_indices = @transform_7, window_bounds = array<i64: 1, 96>}, {pipeline_mode = #tpu.pipeline_mode<synchronous>, transform_indices = @transform_8, window_bounds = array<i64: 1, 96>}]} {
    %get3A = arith.constant 0 : index
    %get3A_0 = arith.constant 0 : index
    %get3A_1 = vector.load %arg2[%get3A, %get3A_0] : memref<1x64xf32, #tpu.memory_space<vmem>>, vector<1x64xf32>
    %div3A = arith.constant 2.621440e+05 : f32
    %div3A_2 = vector.broadcast %div3A : f32 to vector<1x64xf32>
    %div3A_3 = arith.divf %get3A_1, %div3A_2 : vector<1x64xf32>
    %get3A_4 = arith.constant 0 : index
    %get3A_5 = arith.constant 0 : index
    %get3A_6 = vector.load %arg3[%get3A_4, %get3A_5] : memref<1x64xf32, #tpu.memory_space<vmem>>, vector<1x64xf32>
    %div3A_7 = arith.constant 2.621440e+05 : f32
    %div3A_8 = vector.broadcast %div3A_7 : f32 to vector<1x64xf32>
    %div3A_9 = arith.divf %get3A_6, %div3A_8 : vector<1x64xf32>
    %mul3A = arith.mulf %div3A_3, %div3A_3 : vector<1x64xf32>
    %sub3A = arith.subf %div3A_9, %mul3A : vector<1x64xf32>
    %get3A_10 = arith.constant 0 : index
    %get3A_11 = arith.constant 0 : index
    %get3A_12 = vector.load %arg1[%get3A_10, %get3A_11] : memref<4096x64xf32, #tpu.memory_space<vmem>>, vector<4096x64xf32>
    %sub3A_13 = vector.broadcast %div3A_3 : vector<1x64xf32> to vector<4096x64xf32>
    %sub3A_14 = arith.subf %get3A_12, %sub3A_13 : vector<4096x64xf32>
    %add3A = arith.constant 9.99999974E-6 : f32
    %add3A_15 = vector.broadcast %add3A : f32 to vector<1x64xf32>
    %add3A_16 = arith.addf %sub3A, %add3A_15 : vector<1x64xf32>
    %sqrt3A = math.sqrt %add3A_16 : vector<1x64xf32>
    %div3A_17 = vector.broadcast %sqrt3A : vector<1x64xf32> to vector<4096x64xf32>
    %div3A_18 = arith.divf %sub3A_14, %div3A_17 : vector<4096x64xf32>
    %get3A_19 = arith.constant 0 : index
    %get3A_20 = arith.constant 0 : index
    %get3A_21 = vector.load %arg4[%get3A_19, %get3A_20] : memref<1x64xf32, #tpu.memory_space<vmem>>, vector<1x64xf32>
    %mul3A_22 = vector.broadcast %get3A_21 : vector<1x64xf32> to vector<4096x64xf32>
    %mul3A_23 = arith.mulf %div3A_18, %mul3A_22 : vector<4096x64xf32>
    %get3A_24 = arith.constant 0 : index
    %get3A_25 = arith.constant 0 : index
    %get3A_26 = vector.load %arg5[%get3A_24, %get3A_25] : memref<1x64xf32, #tpu.memory_space<vmem>>, vector<1x64xf32>
    %add3A_27 = vector.broadcast %get3A_26 : vector<1x64xf32> to vector<4096x64xf32>
    %add3A_28 = arith.addf %mul3A_23, %add3A_27 : vector<4096x64xf32>
    %max3A = arith.constant 0.000000e+00 : f32
    %max3A_29 = vector.broadcast %max3A : f32 to vector<4096x64xf32>
    %max3A_30 = arith.maximumf %add3A_28, %max3A_29 : vector<4096x64xf32>
    %get3A_31 = arith.constant 0 : index
    %get3A_32 = arith.constant 0 : index
    %get3A_33 = vector.load %arg6[%get3A_31, %get3A_32] : memref<64x96xf32, #tpu.memory_space<vmem>>, vector<64x96xf32>
    %dot_general3A = arith.constant dense<0.000000e+00> : vector<4096x96xf32>
    %dot_general3A_34 = tpu.matmul %max3A_30, %get3A_33, %dot_general3A {dimension_numbers = #tpu.dot_dimension_numbers<[1], [0], [0], [1], [0, 0, 1, 1], [], []>, transpose_lhs_hint = false} : vector<4096x64xf32>, vector<64x96xf32>, vector<4096x96xf32> -> vector<4096x96xf32>
    %swap3A = arith.constant 0 : index
    %swap3A_35 = arith.constant 0 : index
    %swap3A_36 = vector.load %arg7[%swap3A, %swap3A_35] : memref<4096x96xf32, #tpu.memory_space<vmem>>, vector<4096x96xf32>
    tpu.vector_store %arg7[%swap3A, %swap3A_35], %dot_general3A_34 {strides = array<i32>} : memref<4096x96xf32, #tpu.memory_space<vmem>>, vector<4096x96xf32>,
    %eq3A = arith.constant 0 : i32
    %eq3A_37 = arith.cmpi eq, %arg0, %eq3A : i32
    %convert_element_type3A = arith.extui %eq3A_37 : i1 to i32
    %cond3A = arith.constant 0 : i32
    %cond3A_38 = arith.cmpi ne, %convert_element_type3A, %cond3A : i32
    scf.if %cond3A_38 {
      %broadcast_in_dim3A_58 = arith.constant 0.000000e+00 : f32
      %broadcast_in_dim3A_59 = vector.broadcast %broadcast_in_dim3A_58 : f32 to vector<1x96xf32>
      %swap3A_60 = arith.constant 0 : index
      %swap3A_61 = arith.constant 0 : index
      %swap3A_62 = vector.load %arg8[%swap3A_60, %swap3A_61] : memref<1x96xf32, #tpu.memory_space<vmem>>, vector<1x96xf32>
      tpu.vector_store %arg8[%swap3A_60, %swap3A_61], %broadcast_in_dim3A_59 {strides = array<i32>} : memref<1x96xf32, #tpu.memory_space<vmem>>, vector<1x96xf32>,
      %broadcast_in_dim3A_63 = arith.constant 0.000000e+00 : f32
      %broadcast_in_dim3A_64 = vector.broadcast %broadcast_in_dim3A_63 : f32 to vector<1x96xf32>
      %swap3A_65 = arith.constant 0 : index
      %swap3A_66 = arith.constant 0 : index
      %swap3A_67 = vector.load %arg9[%swap3A_65, %swap3A_66] : memref<1x96xf32, #tpu.memory_space<vmem>>, vector<1x96xf32>
      tpu.vector_store %arg9[%swap3A_65, %swap3A_66], %broadcast_in_dim3A_64 {strides = array<i32>} : memref<1x96xf32, #tpu.memory_space<vmem>>, vector<1x96xf32>,
    } else {
    }
    %get3A_39 = arith.constant 0 : index
    %get3A_40 = arith.constant 0 : index
    %get3A_41 = vector.load %arg8[%get3A_39, %get3A_40] : memref<1x96xf32, #tpu.memory_space<vmem>>, vector<1x96xf32>
    %reduce_sum3A = arith.constant dense<0.000000e+00> : vector<96xf32>
    %reduce_sum3A_42 = vector.multi_reduction <add>, %dot_general3A_34, %reduce_sum3A [0] : vector<4096x96xf32> to vector<96xf32>
    %broadcast_in_dim3A = vector.shape_cast %reduce_sum3A_42 : vector<96xf32> to vector<1x96xf32>
    %add3A_43 = arith.addf %get3A_41, %broadcast_in_dim3A : vector<1x96xf32>
    %swap3A_44 = arith.constant 0 : index
    %swap3A_45 = arith.constant 0 : index
    %swap3A_46 = vector.load %arg8[%swap3A_44, %swap3A_45] : memref<1x96xf32, #tpu.memory_space<vmem>>, vector<1x96xf32>
    tpu.vector_store %arg8[%swap3A_44, %swap3A_45], %add3A_43 {strides = array<i32>} : memref<1x96xf32, #tpu.memory_space<vmem>>, vector<1x96xf32>,
    %get3A_47 = arith.constant 0 : index
    %get3A_48 = arith.constant 0 : index
    %get3A_49 = vector.load %arg9[%get3A_47, %get3A_48] : memref<1x96xf32, #tpu.memory_space<vmem>>, vector<1x96xf32>
    %mul3A_50 = arith.mulf %dot_general3A_34, %dot_general3A_34 : vector<4096x96xf32>
    %reduce_sum3A_51 = arith.constant dense<0.000000e+00> : vector<96xf32>
    %reduce_sum3A_52 = vector.multi_reduction <add>, %mul3A_50, %reduce_sum3A_51 [0] : vector<4096x96xf32> to vector<96xf32>
    %broadcast_in_dim3A_53 = vector.shape_cast %reduce_sum3A_52 : vector<96xf32> to vector<1x96xf32>
    %add3A_54 = arith.addf %get3A_49, %broadcast_in_dim3A_53 : vector<1x96xf32>
    %swap3A_55 = arith.constant 0 : index
    %swap3A_56 = arith.constant 0 : index
    %swap3A_57 = vector.load %arg9[%swap3A_55, %swap3A_56] : memref<1x96xf32, #tpu.memory_space<vmem>>, vector<1x96xf32>
    tpu.vector_store %arg9[%swap3A_55, %swap3A_56], %add3A_54 {strides = array<i32>} : memref<1x96xf32, #tpu.memory_space<vmem>>, vector<1x96xf32>,
    return
  }
  func.func @transform_0(%arg0: i32) -> (i32, i32) {
    %c0_i32 = arith.constant 0 : i32
    %c0_i32_0 = arith.constant 0 : i32
    return %arg0, %c0_i32 : i32, i32
  }
  func.func @transform_1(%arg0: i32) -> (i32, i32) {
    %c0_i32 = arith.constant 0 : i32
    %c0_i32_0 = arith.constant 0 : i32
    %c0_i32_1 = arith.constant 0 : i32
    return %c0_i32, %c0_i32_0 : i32, i32
  }
  func.func @transform_2(%arg0: i32) -> (i32, i32) {
    %c0_i32 = arith.constant 0 : i32
    %c0_i32_0 = arith.constant 0 : i32
    %c0_i32_1 = arith.constant 0 : i32
    return %c0_i32, %c0_i32_0 : i32, i32
  }
  func.func @transform_3(%arg0: i32) -> (i32, i32) {
    %c0_i32 = arith.constant 0 : i32
    %c0_i32_0 = arith.constant 0 : i32
    %c0_i32_1 = arith.constant 0 : i32
    return %c0_i32, %c0_i32_0 : i32, i32
  }
  func.func @transform_4(%arg0: i32) -> (i32, i32) {
    %c0_i32 = arith.constant 0 : i32
    %c0_i32_0 = arith.constant 0 : i32
    %c0_i32_1 = arith.constant 0 : i32
    return %c0_i32, %c0_i32_0 : i32, i32
  }
  func.func @transform_5(%arg0: i32) -> (i32, i32) {
    %c0_i32 = arith.constant 0 : i32
    %c0_i32_0 = arith.constant 0 : i32
    %c0_i32_1 = arith.constant 0 : i32
    return %c0_i32, %c0_i32_0 : i32, i32
  }
  func.func @transform_6(%arg0: i32) -> (i32, i32) {
    %c0_i32 = arith.constant 0 : i32
    %c0_i32_0 = arith.constant 0 : i32
    return %arg0, %c0_i32 : i32, i32
  }
  func.func @transform_7(%arg0: i32) -> (i32, i32) {
    %c0_i32 = arith.constant 0 : i32
    %c0_i32_0 = arith.constant 0 : i32
    %c0_i32_1 = arith.constant 0 : i32
    return %c0_i32, %c0_i32_0 : i32, i32
  }
  func.func @transform_8(%arg0: i32) -> (i32, i32) {
    %c0_i32 = arith.constant 0 : i32
    %c0_i32_0 = arith.constant 0 : i32
    %c0_i32_1 = arith.constant 0 : i32
    return %c0_i32, %c0_i32_0 : i32, i32
  }
}

module attributes {stable_mosaic.version = 14 : i64} {
  func.func @_mid_body(%arg0: i32, %arg1: memref<4096x96xf32, #tpu.memory_space<vmem>>, %arg2: memref<1x96xf32, #tpu.memory_space<vmem>>, %arg3: memref<1x96xf32, #tpu.memory_space<vmem>>, %arg4: memref<1x96xf32, #tpu.memory_space<vmem>>, %arg5: memref<1x96xf32, #tpu.memory_space<vmem>>, %arg6: memref<96x128xf32, #tpu.memory_space<vmem>>, %arg7: memref<4096x128xf32, #tpu.memory_space<vmem>>, %arg8: memref<1x128xf32, #tpu.memory_space<vmem>>, %arg9: memref<1x128xf32, #tpu.memory_space<vmem>>) attributes {dimension_semantics = [#tpu.dimension_semantics<arbitrary>], iteration_bounds = array<i64: 64>, scalar_prefetch = 0 : i64, scratch_operands = 0 : i64, tpu.core_type = #tpu.core_type<tc>, window_params = [{transform_indices = @transform_0, window_bounds = array<i64: 4096, 96>}, {pipeline_mode = #tpu.pipeline_mode<synchronous>, transform_indices = @transform_1, window_bounds = array<i64: 1, 96>}, {pipeline_mode = #tpu.pipeline_mode<synchronous>, transform_indices = @transform_2, window_bounds = array<i64: 1, 96>}, {pipeline_mode = #tpu.pipeline_mode<synchronous>, transform_indices = @transform_3, window_bounds = array<i64: 1, 96>}, {pipeline_mode = #tpu.pipeline_mode<synchronous>, transform_indices = @transform_4, window_bounds = array<i64: 1, 96>}, {pipeline_mode = #tpu.pipeline_mode<synchronous>, transform_indices = @transform_5, window_bounds = array<i64: 96, 128>}, {transform_indices = @transform_6, window_bounds = array<i64: 4096, 128>}, {pipeline_mode = #tpu.pipeline_mode<synchronous>, transform_indices = @transform_7, window_bounds = array<i64: 1, 128>}, {pipeline_mode = #tpu.pipeline_mode<synchronous>, transform_indices = @transform_8, window_bounds = array<i64: 1, 128>}]} {
    %get3A = arith.constant 0 : index
    %get3A_0 = arith.constant 0 : index
    %get3A_1 = vector.load %arg2[%get3A, %get3A_0] : memref<1x96xf32, #tpu.memory_space<vmem>>, vector<1x96xf32>
    %div3A = arith.constant 2.621440e+05 : f32
    %div3A_2 = vector.broadcast %div3A : f32 to vector<1x96xf32>
    %div3A_3 = arith.divf %get3A_1, %div3A_2 : vector<1x96xf32>
    %get3A_4 = arith.constant 0 : index
    %get3A_5 = arith.constant 0 : index
    %get3A_6 = vector.load %arg3[%get3A_4, %get3A_5] : memref<1x96xf32, #tpu.memory_space<vmem>>, vector<1x96xf32>
    %div3A_7 = arith.constant 2.621440e+05 : f32
    %div3A_8 = vector.broadcast %div3A_7 : f32 to vector<1x96xf32>
    %div3A_9 = arith.divf %get3A_6, %div3A_8 : vector<1x96xf32>
    %mul3A = arith.mulf %div3A_3, %div3A_3 : vector<1x96xf32>
    %sub3A = arith.subf %div3A_9, %mul3A : vector<1x96xf32>
    %get3A_10 = arith.constant 0 : index
    %get3A_11 = arith.constant 0 : index
    %get3A_12 = vector.load %arg1[%get3A_10, %get3A_11] : memref<4096x96xf32, #tpu.memory_space<vmem>>, vector<4096x96xf32>
    %sub3A_13 = vector.broadcast %div3A_3 : vector<1x96xf32> to vector<4096x96xf32>
    %sub3A_14 = arith.subf %get3A_12, %sub3A_13 : vector<4096x96xf32>
    %add3A = arith.constant 9.99999974E-6 : f32
    %add3A_15 = vector.broadcast %add3A : f32 to vector<1x96xf32>
    %add3A_16 = arith.addf %sub3A, %add3A_15 : vector<1x96xf32>
    %sqrt3A = math.sqrt %add3A_16 : vector<1x96xf32>
    %div3A_17 = vector.broadcast %sqrt3A : vector<1x96xf32> to vector<4096x96xf32>
    %div3A_18 = arith.divf %sub3A_14, %div3A_17 : vector<4096x96xf32>
    %get3A_19 = arith.constant 0 : index
    %get3A_20 = arith.constant 0 : index
    %get3A_21 = vector.load %arg4[%get3A_19, %get3A_20] : memref<1x96xf32, #tpu.memory_space<vmem>>, vector<1x96xf32>
    %mul3A_22 = vector.broadcast %get3A_21 : vector<1x96xf32> to vector<4096x96xf32>
    %mul3A_23 = arith.mulf %div3A_18, %mul3A_22 : vector<4096x96xf32>
    %get3A_24 = arith.constant 0 : index
    %get3A_25 = arith.constant 0 : index
    %get3A_26 = vector.load %arg5[%get3A_24, %get3A_25] : memref<1x96xf32, #tpu.memory_space<vmem>>, vector<1x96xf32>
    %add3A_27 = vector.broadcast %get3A_26 : vector<1x96xf32> to vector<4096x96xf32>
    %add3A_28 = arith.addf %mul3A_23, %add3A_27 : vector<4096x96xf32>
    %max3A = arith.constant 0.000000e+00 : f32
    %max3A_29 = vector.broadcast %max3A : f32 to vector<4096x96xf32>
    %max3A_30 = arith.maximumf %add3A_28, %max3A_29 : vector<4096x96xf32>
    %get3A_31 = arith.constant 0 : index
    %get3A_32 = arith.constant 0 : index
    %get3A_33 = vector.load %arg6[%get3A_31, %get3A_32] : memref<96x128xf32, #tpu.memory_space<vmem>>, vector<96x128xf32>
    %dot_general3A = arith.constant dense<0.000000e+00> : vector<4096x128xf32>
    %dot_general3A_34 = tpu.matmul %max3A_30, %get3A_33, %dot_general3A {dimension_numbers = #tpu.dot_dimension_numbers<[1], [0], [0], [1], [0, 0, 1, 1], [], []>, transpose_lhs_hint = false} : vector<4096x96xf32>, vector<96x128xf32>, vector<4096x128xf32> -> vector<4096x128xf32>
    %swap3A = arith.constant 0 : index
    %swap3A_35 = arith.constant 0 : index
    %swap3A_36 = vector.load %arg7[%swap3A, %swap3A_35] : memref<4096x128xf32, #tpu.memory_space<vmem>>, vector<4096x128xf32>
    tpu.vector_store %arg7[%swap3A, %swap3A_35], %dot_general3A_34 {strides = array<i32>} : memref<4096x128xf32, #tpu.memory_space<vmem>>, vector<4096x128xf32>,
    %eq3A = arith.constant 0 : i32
    %eq3A_37 = arith.cmpi eq, %arg0, %eq3A : i32
    %convert_element_type3A = arith.extui %eq3A_37 : i1 to i32
    %cond3A = arith.constant 0 : i32
    %cond3A_38 = arith.cmpi ne, %convert_element_type3A, %cond3A : i32
    scf.if %cond3A_38 {
      %broadcast_in_dim3A_58 = arith.constant 0.000000e+00 : f32
      %broadcast_in_dim3A_59 = vector.broadcast %broadcast_in_dim3A_58 : f32 to vector<1x128xf32>
      %swap3A_60 = arith.constant 0 : index
      %swap3A_61 = arith.constant 0 : index
      %swap3A_62 = vector.load %arg8[%swap3A_60, %swap3A_61] : memref<1x128xf32, #tpu.memory_space<vmem>>, vector<1x128xf32>
      tpu.vector_store %arg8[%swap3A_60, %swap3A_61], %broadcast_in_dim3A_59 {strides = array<i32>} : memref<1x128xf32, #tpu.memory_space<vmem>>, vector<1x128xf32>,
      %broadcast_in_dim3A_63 = arith.constant 0.000000e+00 : f32
      %broadcast_in_dim3A_64 = vector.broadcast %broadcast_in_dim3A_63 : f32 to vector<1x128xf32>
      %swap3A_65 = arith.constant 0 : index
      %swap3A_66 = arith.constant 0 : index
      %swap3A_67 = vector.load %arg9[%swap3A_65, %swap3A_66] : memref<1x128xf32, #tpu.memory_space<vmem>>, vector<1x128xf32>
      tpu.vector_store %arg9[%swap3A_65, %swap3A_66], %broadcast_in_dim3A_64 {strides = array<i32>} : memref<1x128xf32, #tpu.memory_space<vmem>>, vector<1x128xf32>,
    } else {
    }
    %get3A_39 = arith.constant 0 : index
    %get3A_40 = arith.constant 0 : index
    %get3A_41 = vector.load %arg8[%get3A_39, %get3A_40] : memref<1x128xf32, #tpu.memory_space<vmem>>, vector<1x128xf32>
    %reduce_sum3A = arith.constant dense<0.000000e+00> : vector<128xf32>
    %reduce_sum3A_42 = vector.multi_reduction <add>, %dot_general3A_34, %reduce_sum3A [0] : vector<4096x128xf32> to vector<128xf32>
    %broadcast_in_dim3A = vector.shape_cast %reduce_sum3A_42 : vector<128xf32> to vector<1x128xf32>
    %add3A_43 = arith.addf %get3A_41, %broadcast_in_dim3A : vector<1x128xf32>
    %swap3A_44 = arith.constant 0 : index
    %swap3A_45 = arith.constant 0 : index
    %swap3A_46 = vector.load %arg8[%swap3A_44, %swap3A_45] : memref<1x128xf32, #tpu.memory_space<vmem>>, vector<1x128xf32>
    tpu.vector_store %arg8[%swap3A_44, %swap3A_45], %add3A_43 {strides = array<i32>} : memref<1x128xf32, #tpu.memory_space<vmem>>, vector<1x128xf32>,
    %get3A_47 = arith.constant 0 : index
    %get3A_48 = arith.constant 0 : index
    %get3A_49 = vector.load %arg9[%get3A_47, %get3A_48] : memref<1x128xf32, #tpu.memory_space<vmem>>, vector<1x128xf32>
    %mul3A_50 = arith.mulf %dot_general3A_34, %dot_general3A_34 : vector<4096x128xf32>
    %reduce_sum3A_51 = arith.constant dense<0.000000e+00> : vector<128xf32>
    %reduce_sum3A_52 = vector.multi_reduction <add>, %mul3A_50, %reduce_sum3A_51 [0] : vector<4096x128xf32> to vector<128xf32>
    %broadcast_in_dim3A_53 = vector.shape_cast %reduce_sum3A_52 : vector<128xf32> to vector<1x128xf32>
    %add3A_54 = arith.addf %get3A_49, %broadcast_in_dim3A_53 : vector<1x128xf32>
    %swap3A_55 = arith.constant 0 : index
    %swap3A_56 = arith.constant 0 : index
    %swap3A_57 = vector.load %arg9[%swap3A_55, %swap3A_56] : memref<1x128xf32, #tpu.memory_space<vmem>>, vector<1x128xf32>
    tpu.vector_store %arg9[%swap3A_55, %swap3A_56], %add3A_54 {strides = array<i32>} : memref<1x128xf32, #tpu.memory_space<vmem>>, vector<1x128xf32>,
    return
  }
  func.func @transform_0(%arg0: i32) -> (i32, i32) {
    %c0_i32 = arith.constant 0 : i32
    %c0_i32_0 = arith.constant 0 : i32
    return %arg0, %c0_i32 : i32, i32
  }
  func.func @transform_1(%arg0: i32) -> (i32, i32) {
    %c0_i32 = arith.constant 0 : i32
    %c0_i32_0 = arith.constant 0 : i32
    %c0_i32_1 = arith.constant 0 : i32
    return %c0_i32, %c0_i32_0 : i32, i32
  }
  func.func @transform_2(%arg0: i32) -> (i32, i32) {
    %c0_i32 = arith.constant 0 : i32
    %c0_i32_0 = arith.constant 0 : i32
    %c0_i32_1 = arith.constant 0 : i32
    return %c0_i32, %c0_i32_0 : i32, i32
  }
  func.func @transform_3(%arg0: i32) -> (i32, i32) {
    %c0_i32 = arith.constant 0 : i32
    %c0_i32_0 = arith.constant 0 : i32
    %c0_i32_1 = arith.constant 0 : i32
    return %c0_i32, %c0_i32_0 : i32, i32
  }
  func.func @transform_4(%arg0: i32) -> (i32, i32) {
    %c0_i32 = arith.constant 0 : i32
    %c0_i32_0 = arith.constant 0 : i32
    %c0_i32_1 = arith.constant 0 : i32
    return %c0_i32, %c0_i32_0 : i32, i32
  }
  func.func @transform_5(%arg0: i32) -> (i32, i32) {
    %c0_i32 = arith.constant 0 : i32
    %c0_i32_0 = arith.constant 0 : i32
    %c0_i32_1 = arith.constant 0 : i32
    return %c0_i32, %c0_i32_0 : i32, i32
  }
  func.func @transform_6(%arg0: i32) -> (i32, i32) {
    %c0_i32 = arith.constant 0 : i32
    %c0_i32_0 = arith.constant 0 : i32
    return %arg0, %c0_i32 : i32, i32
  }
  func.func @transform_7(%arg0: i32) -> (i32, i32) {
    %c0_i32 = arith.constant 0 : i32
    %c0_i32_0 = arith.constant 0 : i32
    %c0_i32_1 = arith.constant 0 : i32
    return %c0_i32, %c0_i32_0 : i32, i32
  }
  func.func @transform_8(%arg0: i32) -> (i32, i32) {
    %c0_i32 = arith.constant 0 : i32
    %c0_i32_0 = arith.constant 0 : i32
    %c0_i32_1 = arith.constant 0 : i32
    return %c0_i32, %c0_i32_0 : i32, i32
  }
}

module attributes {stable_mosaic.version = 14 : i64} {
  func.func @_pool_body(%arg0: i32, %arg1: memref<4096x128xf32, #tpu.memory_space<vmem>>, %arg2: memref<1x128xf32, #tpu.memory_space<vmem>>, %arg3: memref<1x128xf32, #tpu.memory_space<vmem>>, %arg4: memref<1x128xf32, #tpu.memory_space<vmem>>, %arg5: memref<1x128xf32, #tpu.memory_space<vmem>>, %arg6: memref<64x128xf32, #tpu.memory_space<vmem>>) attributes {dimension_semantics = [#tpu.dimension_semantics<arbitrary>], iteration_bounds = array<i64: 64>, scalar_prefetch = 0 : i64, scratch_operands = 0 : i64, tpu.core_type = #tpu.core_type<tc>, window_params = [{transform_indices = @transform_0, window_bounds = array<i64: 4096, 128>}, {pipeline_mode = #tpu.pipeline_mode<synchronous>, transform_indices = @transform_1, window_bounds = array<i64: 1, 128>}, {pipeline_mode = #tpu.pipeline_mode<synchronous>, transform_indices = @transform_2, window_bounds = array<i64: 1, 128>}, {pipeline_mode = #tpu.pipeline_mode<synchronous>, transform_indices = @transform_3, window_bounds = array<i64: 1, 128>}, {pipeline_mode = #tpu.pipeline_mode<synchronous>, transform_indices = @transform_4, window_bounds = array<i64: 1, 128>}, {transform_indices = @transform_5, window_bounds = array<i64: 64, 128>}]} {
    %get3A = arith.constant 0 : index
    %get3A_0 = arith.constant 0 : index
    %get3A_1 = vector.load %arg2[%get3A, %get3A_0] : memref<1x128xf32, #tpu.memory_space<vmem>>, vector<1x128xf32>
    %div3A = arith.constant 2.621440e+05 : f32
    %div3A_2 = vector.broadcast %div3A : f32 to vector<1x128xf32>
    %div3A_3 = arith.divf %get3A_1, %div3A_2 : vector<1x128xf32>
    %get3A_4 = arith.constant 0 : index
    %get3A_5 = arith.constant 0 : index
    %get3A_6 = vector.load %arg3[%get3A_4, %get3A_5] : memref<1x128xf32, #tpu.memory_space<vmem>>, vector<1x128xf32>
    %div3A_7 = arith.constant 2.621440e+05 : f32
    %div3A_8 = vector.broadcast %div3A_7 : f32 to vector<1x128xf32>
    %div3A_9 = arith.divf %get3A_6, %div3A_8 : vector<1x128xf32>
    %mul3A = arith.mulf %div3A_3, %div3A_3 : vector<1x128xf32>
    %sub3A = arith.subf %div3A_9, %mul3A : vector<1x128xf32>
    %get3A_10 = arith.constant 0 : index
    %get3A_11 = arith.constant 0 : index
    %get3A_12 = vector.load %arg1[%get3A_10, %get3A_11] : memref<4096x128xf32, #tpu.memory_space<vmem>>, vector<4096x128xf32>
    %sub3A_13 = vector.broadcast %div3A_3 : vector<1x128xf32> to vector<4096x128xf32>
    %sub3A_14 = arith.subf %get3A_12, %sub3A_13 : vector<4096x128xf32>
    %add3A = arith.constant 9.99999974E-6 : f32
    %add3A_15 = vector.broadcast %add3A : f32 to vector<1x128xf32>
    %add3A_16 = arith.addf %sub3A, %add3A_15 : vector<1x128xf32>
    %sqrt3A = math.sqrt %add3A_16 : vector<1x128xf32>
    %div3A_17 = vector.broadcast %sqrt3A : vector<1x128xf32> to vector<4096x128xf32>
    %div3A_18 = arith.divf %sub3A_14, %div3A_17 : vector<4096x128xf32>
    %get3A_19 = arith.constant 0 : index
    %get3A_20 = arith.constant 0 : index
    %get3A_21 = vector.load %arg4[%get3A_19, %get3A_20] : memref<1x128xf32, #tpu.memory_space<vmem>>, vector<1x128xf32>
    %mul3A_22 = vector.broadcast %get3A_21 : vector<1x128xf32> to vector<4096x128xf32>
    %mul3A_23 = arith.mulf %div3A_18, %mul3A_22 : vector<4096x128xf32>
    %get3A_24 = arith.constant 0 : index
    %get3A_25 = arith.constant 0 : index
    %get3A_26 = vector.load %arg5[%get3A_24, %get3A_25] : memref<1x128xf32, #tpu.memory_space<vmem>>, vector<1x128xf32>
    %add3A_27 = vector.broadcast %get3A_26 : vector<1x128xf32> to vector<4096x128xf32>
    %add3A_28 = arith.addf %mul3A_23, %add3A_27 : vector<4096x128xf32>
    %max3A = arith.constant 0.000000e+00 : f32
    %max3A_29 = vector.broadcast %max3A : f32 to vector<4096x128xf32>
    %max3A_30 = arith.maximumf %add3A_28, %max3A_29 : vector<4096x128xf32>
    %reshape3A = vector.shape_cast %max3A_30 : vector<4096x128xf32> to vector<64x64x128xf32>
    %reduce_max3A = arith.constant dense<0xFF800000> : vector<64x128xf32>
    %reduce_max3A_31 = vector.multi_reduction <maximumf>, %reshape3A, %reduce_max3A [1] : vector<64x64x128xf32> to vector<64x128xf32>
    %swap3A = arith.constant 0 : index
    %swap3A_32 = arith.constant 0 : index
    %swap3A_33 = vector.load %arg6[%swap3A, %swap3A_32] : memref<64x128xf32, #tpu.memory_space<vmem>>, vector<64x128xf32>
    tpu.vector_store %arg6[%swap3A, %swap3A_32], %reduce_max3A_31 {strides = array<i32>} : memref<64x128xf32, #tpu.memory_space<vmem>>, vector<64x128xf32>,
    return
  }
  func.func @transform_0(%arg0: i32) -> (i32, i32) {
    %c0_i32 = arith.constant 0 : i32
    %c0_i32_0 = arith.constant 0 : i32
    return %arg0, %c0_i32 : i32, i32
  }
  func.func @transform_1(%arg0: i32) -> (i32, i32) {
    %c0_i32 = arith.constant 0 : i32
    %c0_i32_0 = arith.constant 0 : i32
    %c0_i32_1 = arith.constant 0 : i32
    return %c0_i32, %c0_i32_0 : i32, i32
  }
  func.func @transform_2(%arg0: i32) -> (i32, i32) {
    %c0_i32 = arith.constant 0 : i32
    %c0_i32_0 = arith.constant 0 : i32
    %c0_i32_1 = arith.constant 0 : i32
    return %c0_i32, %c0_i32_0 : i32, i32
  }
  func.func @transform_3(%arg0: i32) -> (i32, i32) {
    %c0_i32 = arith.constant 0 : i32
    %c0_i32_0 = arith.constant 0 : i32
    %c0_i32_1 = arith.constant 0 : i32
    return %c0_i32, %c0_i32_0 : i32, i32
  }
  func.func @transform_4(%arg0: i32) -> (i32, i32) {
    %c0_i32 = arith.constant 0 : i32
    %c0_i32_0 = arith.constant 0 : i32
    %c0_i32_1 = arith.constant 0 : i32
    return %c0_i32, %c0_i32_0 : i32, i32
  }
  func.func @transform_5(%arg0: i32) -> (i32, i32) {
    %c0_i32 = arith.constant 0 : i32
    %c0_i32_0 = arith.constant 0 : i32
    return %arg0, %c0_i32 : i32, i32
  }
}

</mosaic_0001>

<sc_bundles>
// kernel: kernel.17.cloned.1.call-start
scs
__scs_entry_jumppad:
0x0: {  	(pc) =	sbr.rel $0x88, $3  }
0x1: {  	(tag) =	ssettag $0x0;
	lr =	simm.s32 $0x1  }
0x2: {  	[smem:$0x3F84] =	sst lr;
	_ =	strace $0xD0000000  }
0x3: {  	_ = 	snop  }
0x4: {  	_ = 	snop  }
0x5: {  	_ = 	snop  }
0x6: {  	_ = 	snop  }
0x7: {  	_ = 	snop  }
__scs_overlays_trampoline_lowered:
0x8: {  	[smem:$0x3F93] =	sst s0  }
0x9: {  	[smem:$0x3F94] =	sst s1  }
0xa: {  	[smem:$0x3F95] =	sst s2  }
0xb: {  	[smem:$0x3F96] =	sst s3  }
0xc: {  	[smem:$0x3F97] =	sst s4  }
0xd: {  	[smem:$0x3F98] =	sst s5  }
0xe: {  	[smem:$0x3F99] =	sst s6  }
0xf: {  	[smem:$0x3F9A] =	sst s7  }
0x10: {  	[smem:$0x3F9B] =	sst s8  }
0x11: {  	[smem:$0x3F9C] =	sst s9;
	s0 =	simm.s32 @!p0 $0x0  }
0x12: {  	s1 =	sld [smem:$0x3F82];
	s0 =	simm.s32 @p0 $0x1  }
0x13: {  	[smem:$0x3F9D] =	sst s0;
	s0 =	simm.s32 @!p1 $0x0  }
0x14: {  	s2 =	sld [smem:$0x3F81];
	s0 =	simm.s32 @p1 $0x1  }
0x15: {  	[smem:$0x3F9E] =	sst s0;
	s0 =	simm.s32 @!p2 $0x0  }
0x16: {  	s3 =	sld [smem:$0x3FDB];
	s0 =	simm.s32 @p2 $0x1  }
0x17: {  	s4 =	simm.s32 $0x1BF5;
	[smem:$0x3FA0] =	sst s0  }
0x18: {  	s0 =	sld [smem:$0x3F83];
	_ =	swait.ge [sflag:s4], $0x0  }
0x19: {  	s7 =	sld [smem:$0x3F84]  }
0x1a: {  	s8 =	sadd.s32 $0xFFFFE003, lr  }
0x1b: {  	s9 =	sadd.s32 $0xFFFFFEF7, lr;
	s5 =	simm.s32 $0xFFFFFFFF;
	p2 =	slt.u32 s8, $0xFFFFF086  }
0x1c: {  	p1 =	slt.u32 s9, $0xF7A;
	s5 =	simm.s32 @!p2 $0x0  }
0x1d: {  	s5 =	simm.s32 @p1 $0x1;
	p0 =	seq.s32 s7, s2  }
0x1e: {  	s7 =	smul.u32 @!p0 $0xF7A, s2;
	p2 =	seq.s32 @!p0 s5, $0x0  }
0x1f: {  	s9 =	smul.u32 $0xF7A, s1;
	s8 =	simm.s32 @!p0 $0x1BF5;
	p2 =	por !p2, p0  }
0x20: {  	[sflag:s8] =	ssyncset.s32 @!p0 $0xFFFFF086;
	s6 =	sadd.s32 @!p0 s3, s7;
	s7 =	simm.s32 @!p0 $0x108  }
0x21: {  	s3 =	sadd.s32 s3, s9;
	s6 =	sadd.s32 @!p0 $0x88, s6;
	s7 =	simm.s32 @p2 $0x1082  }
0x22: {  	[simem:s7], [sflag:s8] =	dma.local @!p0 [hbm:s6], $0xF7A  }
0x23: {  	s9 =	sor.u32 $0xD0000000, s2;
	s6 =	simm.s32 $0x108;
	_ =	swait.ge @!p0 [sflag:s8], $0x0  }
0x24: {  	s3 =	sadd.s32 $0x88, s3;
	s6 =	simm.s32 @!p1 $0x1082;
	[sflag:s4] =	ssyncset.s32 $0xFFFFF086  }
0x25: {  	[simem:s6], [sflag:s4] =	dma.local [hbm:s3], $0xF7A  }
0x26: {  	[smem:$0x3F84] =	sst s1;
	(tag) =	ssettag s2;
	_ =	strace s9  }
0x27: {  	s1 =	sld [smem:$0x3F94]  }
0x28: {  	s2 =	sld [smem:$0x3F95]  }
0x29: {  	s4 =	sld [smem:$0x3F97]  }
0x2a: {  	p0 =	seq.s32 s5, $0x0;
	s5 =	sld [smem:$0x3F98]  }
0x2b: {  	s6 =	sld [smem:$0x3F99]  }
0x2c: {  	s7 =	sld [smem:$0x3F9A]  }
0x2d: {  	s3 =	simm.s32 $0x108;
	s8 =	sld [smem:$0x3F9B]  }
0x2e: {  	s3 =	simm.s32 @!p0 $0x1082;
	s9 =	sld [smem:$0x3F9C]  }
0x2f: {  	lr =	sadd.s32 s0, s3;
	s0 =	sld [smem:$0x3F93]  }
0x30: {  	s3 =	sld [smem:$0x3F96]  }
0x31: {  	[smem:$0x3F9F] =	sst s10  }
0x32: {  	s10 =	sld [smem:$0x3F9D];
	_ =	sdelay $0x3  }
0x33: {  	p0 =	seq.s32 s10, $0x1;
	s10 =	sld [smem:$0x3F9F];
	_ =	sdelay $0x3  }
0x34: {  	[smem:$0x3F9F] =	sst s10  }
0x35: {  	s10 =	sld [smem:$0x3F9E];
	_ =	sdelay $0x3  }
0x36: {  	p1 =	seq.s32 s10, $0x1;
	s10 =	sld [smem:$0x3F9F];
	_ =	sdelay $0x3  }
0x37: {  	[smem:$0x3F9F] =	sst s10  }
0x38: {  	s10 =	sld [smem:$0x3FA0]  }
0x39: {  	_ = 	snop;
	(pc) =	sbr.ind lr, $3  }
0x3a: {  	_ = 	snop  }
0x3b: {  	_ = 	snop  }
0x3c: {  	p2 =	seq.s32 s10, $0x1;
	s10 =	sld [smem:$0x3F9F]  }
0x3d: {  	_ =	shalt  }
0x3e: {  	_ =	shalt  }
0x3f: {  	_ =	shalt  }
0x40: {  	_ =	shalt  }
0x41: {  	_ =	shalt  }
0x42: {  	_ =	shalt  }
0x43: {  	_ =	shalt  }
0x44: {  	_ =	shalt  }
0x45: {  	_ =	shalt  }
0x46: {  	_ =	shalt  }
0x47: {  	_ =	shalt  }
0x48: {  	_ =	shalt  }
0x49: {  	_ =	shalt  }
0x4a: {  	_ =	shalt  }
0x4b: {  	_ =	shalt  }
0x4c: {  	_ =	shalt  }
0x4d: {  	_ =	shalt  }
0x4e: {  	_ =	shalt  }
0x4f: {  	_ =	shalt  }
0x50: {  	_ =	shalt  }
0x51: {  	_ =	shalt  }
0x52: {  	_ =	shalt  }
0x53: {  	_ =	shalt  }
0x54: {  	_ =	shalt  }
0x55: {  	_ =	shalt  }
0x56: {  	_ =	shalt  }
0x57: {  	_ =	shalt  }
0x58: {  	_ =	shalt  }
0x59: {  	_ =	shalt  }
0x5a: {  	_ =	shalt  }
0x5b: {  	_ =	shalt  }
0x5c: {  	_ =	shalt  }
0x5d: {  	_ =	shalt  }
0x5e: {  	_ =	shalt  }
0x5f: {  	_ =	shalt  }
0x60: {  	_ =	shalt  }
0x61: {  	_ =	shalt  }
0x62: {  	_ =	shalt  }
0x63: {  	_ =	shalt  }
0x64: {  	_ =	shalt  }
0x65: {  	_ =	shalt  }
0x66: {  	_ =	shalt  }
0x67: {  	_ =	shalt  }
0x68: {  	_ =	shalt  }
0x69: {  	_ =	shalt  }
0x6a: {  	_ =	shalt  }
0x6b: {  	_ =	shalt  }
0x6c: {  	_ =	shalt  }
0x6d: {  	_ =	shalt  }
0x6e: {  	_ =	shalt  }
0x6f: {  	_ =	shalt  }
0x70: {  	_ =	shalt  }
0x71: {  	_ =	shalt  }
0x72: {  	_ =	shalt  }
0x73: {  	_ =	shalt  }
0x74: {  	_ =	shalt  }
0x75: {  	_ =	shalt  }
0x76: {  	_ =	shalt  }
0x77: {  	_ =	shalt  }
0x78: {  	_ =	shalt  }
0x79: {  	_ =	shalt  }
0x7a: {  	_ =	shalt  }
0x7b: {  	_ =	shalt  }
0x7c: {  	_ =	shalt  }
0x7d: {  	_ =	shalt  }
0x7e: {  	_ =	shalt  }
0x7f: {  	_ =	shalt  }
0x80: {  	_ =	shalt  }
0x81: {  	_ =	shalt  }
0x82: {  	_ =	shalt  }
0x83: {  	_ =	shalt  }
0x84: {  	_ =	shalt  }
0x85: {  	_ =	shalt  }
0x86: {  	_ =	shalt  }
0x87: {  	_ =	shalt  }
.Lfunc_end0:
.L_simem_size_0:
called_computation_lowered:
.L_overlay_start_0:
0x88: {  	s2 =	sld [smem:$0x3FD9]  }
0x89: {  	s3 =	sld [smem:$0x3FFE];
	_ =	sdelay $0x1  }
0x8a: {  	s1 =	srdreg.scid  }
0x8b: {  	s0 =	sand.u32 $0x1, s1  }
0x8c: {  	s16 =	sshll.u32 s0, $0xA;
	s2 =	sadd.s32 s3, s2  }
0x8d: {  	s2 =	sadd.s32 s2, s16  }
0x8e: {  	[smem:$0x3FAB] =	sst s2  }
0x8f: {  	_ = 	snop  }
0x90: {  	(tm) =	ssettm $0x1  }
0x91: {  	s17 =	sld [smem:$0x3FFB];
	_ =	sdelay $0x3  }
0x92: {  	_ =	strace s17  }
0x93: {  	s2 =	sld [smem:$0x3FFC];
	_ =	sdelay $0x3  }
0x94: {  	_ =	strace s2  }
0x95: {  	s2 =	sld [smem:$0x3FFD];
	_ =	sdelay $0x3  }
0x96: {  	_ =	strace s2  }
0x97: {  	_ =	strace $0x8FFFFFFF  }
0x98: {  	s18 =	sld [smem:$0x3FDB];
	_ =	sdelay $0x1  }
0x99: {  	s19 =	simm.s32 $_scs_section_size  }
0x9a: {  	s4 =	simm.s32 $_size__tile_overlayer_lowered;
	s5 =	simm.s32 $_tile_overlayer_lowered  }
0x9b: {  	s22 =	simm.s32 $0x1BFF;
	s21 =	sshll.u32 s5, $0x1;
	s2 =	sadd.s32 s19, s18  }
0x9c: {  	s6 =	simm.s32 $0x0;
	s20 =	sshll.u32 s4, $0x1;
	s4 =	sadd.s32 s21, s2  }
0x9d: {  	[timem:s6], [sflag:s22] =	dma.local [hbm:s4], s20  }
0x9e: {  	_ =	swait.ge [sflag:s22], s20  }
0x9f: {  	s3 =	ssub.s32 $0x0, s20;
	[sflag:s22] =	ssyncset.done $0x0  }
0xa0: {  	[sflag:s22] =	ssyncadd.s32 s3;
	_ =	sdelay $0x1  }
0xa1: {  	s23 =	simm.s32 $0x1B8B  }
0xa2: {  	_ =	swait.ge [sflag:s23], $0x1  }
0xa3: {  	[sflag:s23] =	ssyncset.done $0x0  }
0xa4: {  	s25 =	simm.s32 $0x1B8E;
	s24 =	sld [smem:$0x3FFE];
	[sflag:s23] =	ssyncadd.s32 $0xFFFFFFFF  }
0xa5: {  	s26 =	simm.s32 $execute0_lowered;
	[smem:$0x3FD2] =	sst s25  }
0xa6: {  	s4 =	sshll.u32 s26, $0x1;
	_ =	strace $0x80000046;
	[dreg:$0x1] =	wrdreg $0xFFFFFFFF  }
0xa7: {  	s28 =	simm.s32 $_size_execute0_lowered;
	s2 =	sadd.s32 s2, s4;
	[dreg:$0x0] =	wrdreg $0x0  }
0xa8: {  	s4 =	sshll.u32 s28, $0x1;
	[dreg:$0x2] =	wrdreg s2  }
0xa9: {  	[dreg:$0x3] =	wrdreg s4  }
0xaa: {  	[dreg:$0x4] =	wrdreg $0xC0  }
0xab: {  	_ =	task [dreg:s6], $0x5FFFF  }
0xac: {  	[dreg:$0x1] =	wrdreg $0xFFFFFFFF  }
0xad: {  	[dreg:$0x0] =	wrdreg $0x60  }
0xae: {  	[dreg:$0x2] =	wrdreg s24  }
0xaf: {  	[dreg:$0x3] =	wrdreg $0x9  }
0xb0: {  	_ =	task.clear_ibuf [dreg:s6], $0x4FFFF;
	_ =	strace $0x90000046  }
0xb1: {  	s29 =	simm.s32 $0x9;
	_ =	strace $0x80000048  }
0xb2: {  	_ =	swait.ge [sflag:s29], $0x1  }
0xb3: {  	[sflag:s29] =	ssyncadd.s32 $0xFFFFFFFF  }
0xb4: {  	_ =	strace $0x90000048  }
0xb5: {  	_ =	sfence  }
0xb6: {  	s30 =	sld [smem:$0x0];
	_ =	sdelay $0x2  }
0xb7: {  	s31 =	sshll.u32 s1, $0xD;
	s1 =	sshrl.u32 s1, $0x2  }
0xb8: {  	s3 =	sand.u32 $0x4000, s31;
	s1 =	sadd.s32 s1, s30  }
0xb9: {  	s0 =	sor.u32 s3, s0;
	s1 =	sshll.u32 s1, $0x11  }
0xba: {  	s0 =	sor.u32 s1, s0  }
0xbb: {  	s0 =	sadd.s32 $0x8F2B, s0  }
0xbc: {  	[sflag:s0] =	ssyncadd.remote.s32 $0x1  }
0xbd: {  	_ =	sfence.sel $0xFFFF  }
0xbe: {  	[dreg:$0x0] =	wrdreg $0xFFFFFFFF;
	(pc) =	sbr.abs _section_cstart, $3  }
0xbf: {  	[dreg:$0x1] =	wrdreg $0xFFFFFFFF  }
0xc0: {  	_ =	task.clear_ibuf [dreg:s6], $0x2FFFF;
	_ =	strace $0x9FFFFFFF  }
0xc1: {  	(tm) =	ssettm $0x7FFFFFFF  }
tec
execute0_lowered:
.L_overlay_start_1:
0x0: {  	(tag) =	ssettag $0x1  }
0x1: {  	s4 =	rddreg [dreg:$0x0];
	s3 =	srdreg.scid  }
0x2: {  	s1 =	stileid.u32;
	s2 =	simm.s32 $0x0;
	s20 =	simm.s32 $0x8200  }
0x3: {  	s21 =	simm.s32 $0x1;
	s22 =	simm.s32 $0x3;
	s13 =	smul.u32 $0x380000, s1  }
0x4: {  	s23 =	simm.s32 $0x2;
	s24 =	simm.s32 $0x4;
	s31 =	smul.u32 $0x7000, s1  }
0x5: {  	s25 =	simm.s32 $0x0;
	s14 =	sand.u32 $0x1, s3;
	s19 =	smul.u32 $0x70000, s1  }
0x6: {  	s26 =	sshll.u32 s1, $0x1;
	[smem:$0x7FF] =	sst s2;
	s17 =	smul.u32 $0x1C0000, s14  }
0x7: {  	s3 =	sadd.s32 $0x6400, s4;
	s16 =	sadd.s32 $0x46400, s4;
	s18 =	smul.u32 $0x3800, s14  }
0x8: {  	s5 =	sor.u32 s14, s26;
	s28 =	ssub.s32 $0x2, s14;
	s14 =	smul.u32 $0x38000, s14  }
0x9: {  	s15 =	sadd.s32 $0x54400, s4;
	s8 =	smul.u32 $0x3800, s5;
	s6 =	sshrl.u32 s28, $0x1  }
0xa: {  	_ =	strace $0x80000047;
	s5 =	smul.u32 $0x1C0000, s5;
	s6 =	ssub.s32 s28, s6  }
0xb: {  	s13 =	sadd.s32 s17, s13;
	s17 =	sadd.s32 s18, s31;
	s7 =	sshrl.u32 s8, $0x3  }
0xc: {  	s9 =	sor.u32 $0x100, s8;
	s10 =	sor.u32 $0x200, s8;
	s11 =	sshrl.u32 s5, $0x3  }
0xd: {  	s5 =	smax.u32 s6, $0x1;
	s12 =	sadd.s32 $0x3700, s8;
	s13 =	sor.u32 $0x10000, s13  }
0xe: {  	s18 =	sor.u32 $0x400, s17;
	s17 =	sor.u32 $0x300, s17;
	s4 =	sadd.s32 s16, s7  }
0xf: {  	s29 =	sshrl.u32 s9, $0x3;
	s7 =	sadd.s32 s15, s11;
	s10 =	sshrl.u32 s10, $0x3  }
0x10: {  	s9 =	sshll.u32 s9, $0x4;
	s30 =	sshrl.u32 s12, $0x3;
	s12 =	sshll.u32 s12, $0x4  }
0x11: {  	s13 =	sshrl.u32 s13, $0x3;
	s18 =	sshrl.u32 s18, $0x3;
	s17 =	sshrl.u32 s17, $0x3  }
0x12: {  	s6 =	sadd.s32 s16, s29;
	s8 =	sadd.s32 s16, s10;
	s9 =	sadd.s32 s15, s9  }
0x13: {  	s10 =	sadd.s32 s16, s30;
	s11 =	sadd.s32 $0x36000, s7;
	s12 =	sadd.s32 s15, s12  }
0x14: {  	s13 =	sadd.s32 s13, s15;
	s15 =	sadd.s32 s19, s15;
	s19 =	simm.s32 $0x200  }
0x15: {  	s15 =	sadd.s32 s14, s15;
	s14 =	sadd.s32 s18, s16;
	s16 =	sadd.s32 s17, s16  }
0x16: {  	s17 =	simm.s32 $0x5;
	s18 =	simm.s32 $0x100;
	s15 =	sadd.s32 $0x3000, s15  }
.LBB2_1:
0x17: {  	[tilespmem:s2], [sflag:$0x5] =	stream.linear.gather [hbm4b:s4+s2], $0x100, $0x38;
	[tilespmem:$0x10200] =	vst v63  }
0x18: {  	_ =	swait.ge [sflag:s17], $0x100  }
0x19: {  	[sflag:s17] =	ssyncset.done $0x0  }
0x1a: {  	[sflag:s17] =	ssyncadd.s32 $0xFFFFFF00  }
0x1b: {  	[tilespmem:s19], [sflag:$0x1] =	stream.indirect.gather [hbm4b:s3+s18], $0x80, s2, s18, $0xb8;
	[tilespmem:$0x10200] =	vst v63  }
0x1c: {  	_ = 	snop  }
0x1d: {  	[tilespmem:s18], [sflag:$0x5] =	stream.linear.gather [hbm4b:s6+s2], $0x100, $0x38;
	[tilespmem:$0x10200] =	vst v63  }
0x1e: {  	_ =	swait.ge [sflag:s17], $0x100  }
0x1f: {  	[sflag:s17] =	ssyncset.done $0x0  }
0x20: {  	[sflag:s17] =	ssyncadd.s32 $0xFFFFFF00  }
0x21: {  	[tilespmem:s20], [sflag:$0x2] =	stream.indirect.gather [hbm4b:s3+s18], $0x80, s18, s18, $0xb8;
	[tilespmem:$0x10200] =	vst v63  }
0x22: {  	_ =	swait.ge [sflag:s21], $0x8000  }
0x23: {  	[sflag:s21] =	ssyncset.done $0x0  }
0x24: {  	[sflag:s21] =	ssyncadd.s32 $0xFFFF8000  }
0x25: {  	[hbm4b:s7+s2] =	stream.linear.scatter [tilespmem:s19], [sflag:$0x3], $0x8000, $0x38;
	[tilespmem:$0x10200] =	vst v63  }
0x26: {  	_ =	swait.ge [sflag:s22], $0x8000  }
0x27: {  	[sflag:s22] =	ssyncset.done $0x0  }
0x28: {  	[sflag:s22] =	ssyncadd.s32 $0xFFFF8000  }
0x29: {  	[tilespmem:s2], [sflag:$0x5] =	stream.linear.gather [hbm4b:s8+s2], $0x100, $0x38;
	[tilespmem:$0x10200] =	vst v63  }
0x2a: {  	_ =	swait.ge [sflag:s17], $0x100  }
0x2b: {  	[sflag:s17] =	ssyncset.done $0x0  }
0x2c: {  	[sflag:s17] =	ssyncadd.s32 $0xFFFFFF00  }
0x2d: {  	[tilespmem:s19], [sflag:$0x1] =	stream.indirect.gather [hbm4b:s3+s18], $0x80, s2, s18, $0xb8;
	[tilespmem:$0x10200] =	vst v63  }
0x2e: {  	_ =	swait.ge [sflag:s23], $0x8000  }
0x2f: {  	[sflag:s23] =	ssyncset.done $0x0  }
0x30: {  	[sflag:s23] =	ssyncadd.s32 $0xFFFF8000  }
0x31: {  	[hbm4b:s9+s2] =	stream.linear.scatter [tilespmem:s20], [sflag:$0x4], $0x8000, $0x38;
	[tilespmem:$0x10200] =	vst v63  }
0x32: {  	_ =	swait.ge [sflag:s24], $0x8000  }
0x33: {  	[sflag:s24] =	ssyncset.done $0x0  }
0x34: {  	s26 =	sadd.s32 $0x0, s16;
	[sflag:s24] =	ssyncadd.s32 $0xFFFF8000  }
0x35: {  	[tilespmem:s18], [sflag:$0x5] =	stream.linear.gather [hbm4b:s26+s2], $0x100, $0x38;
	[tilespmem:$0x10200] =	vst v63  }
0x36: {  	_ =	swait.ge [sflag:s17], $0x100  }
0x37: {  	[sflag:s17] =	ssyncset.done $0x0  }
0x38: {  	[sflag:s17] =	ssyncadd.s32 $0xFFFFFF00  }
0x39: {  	[tilespmem:s20], [sflag:$0x2] =	stream.indirect.gather [hbm4b:s3+s18], $0x80, s18, s18, $0xb8;
	[tilespmem:$0x10200] =	vst v63  }
0x3a: {  	_ =	swait.ge [sflag:s21], $0x8000  }
0x3b: {  	[sflag:s21] =	ssyncset.done $0x0  }
0x3c: {  	[sflag:s21] =	ssyncadd.s32 $0xFFFF8000  }
0x3d: {  	[hbm4b:s13+s2] =	stream.linear.scatter [tilespmem:s19], [sflag:$0x3], $0x8000, $0x38;
	[tilespmem:$0x10200] =	vst v63  }
0x3e: {  	_ =	swait.ge [sflag:s22], $0x8000  }
0x3f: {  	[sflag:s22] =	ssyncset.done $0x0  }
0x40: {  	s31 =	sadd.s32 $0x0, s14;
	[sflag:s22] =	ssyncadd.s32 $0xFFFF8000  }
0x41: {  	[tilespmem:s2], [sflag:$0x5] =	stream.linear.gather [hbm4b:s31+s2], $0x100, $0x38;
	[tilespmem:$0x10200] =	vst v63  }
0x42: {  	_ =	swait.ge [sflag:s17], $0x100  }
0x43: {  	[sflag:s17] =	ssyncset.done $0x0  }
0x44: {  	[sflag:s17] =	ssyncadd.s32 $0xFFFFFF00  }
0x45: {  	[tilespmem:s19], [sflag:$0x1] =	stream.indirect.gather [hbm4b:s3+s18], $0x80, s2, s18, $0xb8;
	[tilespmem:$0x10200] =	vst v63  }
0x46: {  	_ =	swait.ge [sflag:s23], $0x8000  }
0x47: {  	s28 =	sadd.s32 $0x2000, s13;
	s29 =	sadd.s32 $0x2000, s15;
	[sflag:s23] =	ssyncset.done $0x0  }
0x48: {  	s30 =	smov.u32 s15;
	s26 =	simm.s32 $0x40;
	[sflag:s23] =	ssyncadd.s32 $0xFFFF8000  }
.LBB2_2:
0x49: {  	[hbm4b:s30+s2] =	stream.linear.scatter [tilespmem:s20], [sflag:$0x4], $0x8000, $0x38;
	[tilespmem:$0x10200] =	vst v63  }
0x4a: {  	s31 =	smov.u32 s26;
	s30 =	smov.u32 s29  }
0x4b: {  	p0 =	sne.s32 s26, $0x640;
	s26 =	sadd.s32 $0x40, s26;
	_ =	swait.ge [sflag:s24], $0x8000  }
0x4c: {  	[sflag:s24] =	ssyncset.done $0x0  }
0x4d: {  	s0 =	sadd.s32 s31, s16;
	[sflag:s24] =	ssyncadd.s32 $0xFFFF8000  }
0x4e: {  	[tilespmem:s18], [sflag:$0x5] =	stream.linear.gather [hbm4b:s0+s2], $0x100, $0x38;
	[tilespmem:$0x10200] =	vst v63  }
0x4f: {  	_ =	swait.ge [sflag:s17], $0x100  }
0x50: {  	[sflag:s17] =	ssyncset.done $0x0  }
0x51: {  	[sflag:s17] =	ssyncadd.s32 $0xFFFFFF00  }
0x52: {  	[tilespmem:s20], [sflag:$0x2] =	stream.indirect.gather [hbm4b:s3+s18], $0x80, s18, s18, $0xb8;
	[tilespmem:$0x10200] =	vst v63  }
0x53: {  	_ =	swait.ge [sflag:s21], $0x8000  }
0x54: {  	[sflag:s21] =	ssyncset.done $0x0  }
0x55: {  	[sflag:s21] =	ssyncadd.s32 $0xFFFF8000  }
0x56: {  	[hbm4b:s28+s2] =	stream.linear.scatter [tilespmem:s19], [sflag:$0x3], $0x8000, $0x38;
	[tilespmem:$0x10200] =	vst v63  }
0x57: {  	_ =	swait.ge [sflag:s22], $0x8000  }
0x58: {  	[sflag:s22] =	ssyncset.done $0x0  }
0x59: {  	s0 =	sadd.s32 s31, s14;
	[sflag:s22] =	ssyncadd.s32 $0xFFFF8000  }
0x5a: {  	[tilespmem:s2], [sflag:$0x5] =	stream.linear.gather [hbm4b:s0+s2], $0x100, $0x38;
	[tilespmem:$0x10200] =	vst v63  }
0x5b: {  	_ =	swait.ge [sflag:s17], $0x100  }
0x5c: {  	[sflag:s17] =	ssyncset.done $0x0  }
.Ltmp0:
0x5d: {  	[sflag:s17] =	ssyncadd.s32 $0xFFFFFF00;
	(pc) =	sbr.rel @p0 .LBB2_2-.Ltmp0, $4  }
0x5e: {  	[tilespmem:s19], [sflag:$0x1] =	stream.indirect.gather [hbm4b:s3+s18], $0x80, s2, s18, $0xb8;
	[tilespmem:$0x10200] =	vst v63  }
0x5f: {  	_ =	swait.ge [sflag:s23], $0x8000  }
0x60: {  	[sflag:s23] =	ssyncset.done $0x0  }
0x61: {  	s29 =	sadd.s32 $0x2000, s29;
	s28 =	sadd.s32 $0x2000, s28;
	[sflag:s23] =	ssyncadd.s32 $0xFFFF8000  }
0x62: {  	[hbm4b:s30+s2] =	stream.linear.scatter [tilespmem:s20], [sflag:$0x4], $0x8000, $0x38;
	[tilespmem:$0x10200] =	vst v63  }
0x63: {  	_ =	swait.ge [sflag:s24], $0x8000  }
0x64: {  	[sflag:s24] =	ssyncset.done $0x0  }
0x65: {  	[sflag:s24] =	ssyncadd.s32 $0xFFFF8000  }
0x66: {  	[tilespmem:s18], [sflag:$0x5] =	stream.linear.gather [hbm4b:s10+s2], $0x100, $0x38;
	[tilespmem:$0x10200] =	vst v63  }
0x67: {  	_ =	swait.ge [sflag:s17], $0x100  }
0x68: {  	[sflag:s17] =	ssyncset.done $0x0  }
0x69: {  	[sflag:s17] =	ssyncadd.s32 $0xFFFFFF00  }
0x6a: {  	[tilespmem:s20], [sflag:$0x2] =	stream.indirect.gather [hbm4b:s3+s18], $0x80, s18, s18, $0xb8;
	[tilespmem:$0x10200] =	vst v63  }
0x6b: {  	_ =	swait.ge [sflag:s21], $0x8000  }
0x6c: {  	[sflag:s21] =	ssyncset.done $0x0  }
0x6d: {  	[sflag:s21] =	ssyncadd.s32 $0xFFFF8000  }
0x6e: {  	[hbm4b:s11+s2] =	stream.linear.scatter [tilespmem:s19], [sflag:$0x3], $0x8000, $0x38;
	[tilespmem:$0x10200] =	vst v63  }
0x6f: {  	_ =	swait.ge [sflag:s22], $0x8000  }
0x70: {  	[sflag:s22] =	ssyncset.done $0x0  }
0x71: {  	[sflag:s22] =	ssyncadd.s32 $0xFFFF8000  }
0x72: {  	s25 =	sadd.s32 $0x1, s25;
	_ =	swait.ge [sflag:s23], $0x8000  }
0x73: {  	p0 =	sne.s32 s25, s5;
	[sflag:s23] =	ssyncset.done $0x0  }
.Ltmp1:
0x74: {  	[sflag:s23] =	ssyncadd.s32 $0xFFFF8000;
	(pc) =	sbr.rel @p0 .LBB2_1-.Ltmp1, $4  }
0x75: {  	[hbm4b:s12+s2] =	stream.linear.scatter [tilespmem:s20], [sflag:$0x4], $0x8000, $0x38;
	[tilespmem:$0x10200] =	vst v63  }
0x76: {  	_ =	swait.ge [sflag:s24], $0x8000  }
0x77: {  	[sflag:s24] =	ssyncset.done $0x0  }
0x78: {  	[sflag:s24] =	ssyncadd.s32 $0xFFFF8000  }
0x79: {  	_ =	sfence.sel $0x180000  }
0x7a: {  	[bflag:$0x0] =	sbarrier.arrive $0xFFFF  }
0x7b: {  	_ =	strace $0x90000047  }
0x7c: {  	[bflag:$0x2] =	sbarrier.arrive $0xFFFF  }
0x7d: {  	p0 =	sne.s32 s1, $0x0;
	s0 =	rddreg [dreg:$0x1]  }
0x7e: {  	s0 =	sadd.s32 @!p0 $0x100000, s0  }
0x7f: {  	[sflag:s0] =	ssyncadd.tile.s32 @!p0 $0x1;
	_ =	shalt  }
.Lfunc_end2:
_tile_overlayer_lowered:
.L_overlay_start_2:
0x80: {  	(tag) =	ssettag $0x2  }
0x81: {  	s0 =	rddreg [dreg:$0x0];
	s2 =	stileid.u32  }
0x82: {  	s1 =	rddreg [dreg:$0x1];
	p0 =	sne.s32 s2, $0x0  }
0x83: {  	s3 =	rddreg [dreg:$0x2];
	[bflag:$0x3] =	sbarrier.arrive $0xFFFF;
	s2 =	simm.s32 @!p0 $0x1C05  }
0x84: {  	[timem:s3], [sflag:s2] =	dma.local @!p0 [hbm:s0], s1  }
0x85: {  	s0 =	simm.s32 @!p0 $0x5  }
0x86: {  	_ =	swait.ge @!p0 [sflag:s0], s1  }
0x87: {  	s1 =	ssub.s32 @!p0 $0x0, s1;
	[sflag:s0] =	ssyncset.done @!p0 $0x0  }
0x88: {  	[sflag:s0] =	ssyncadd.s32 @!p0 s1  }
0x89: {  	[bflag:$0x3] =	sbarrier.arrive $0xFFFF  }
0x8a: {  	_ =	shalt  }

</sc_bundles>
